<compile_context>
chip_gen: v7x
topology: tpu7x:2x2x1
jax: 0.10.2.dev20260603
libtpu: 0.0.44.dev20260713+nightly
codegen_flags: <defaults>
</compile_context>

<pallas_src>
import functools

import jax
import jax.numpy as jnp
from jax import lax
from jax.experimental import pallas as pl
from jax.experimental.pallas import tpu as pltpu
from jax.experimental.pallas import tpu_sc as plsc

N = 10000
E = 320000
D = 128

NC = 2
NS = 16
CHUNK = 128
CPT = 80
ROWS2D = NC * NS * CPT
E_PAD = ROWS2D * CHUNK
N_ACC = 10112
ZROWS = N_ACC // NS
NBUF = 2
NPH = 2
HC = CPT // NPH


def _sc_aggregate(h, row2d, col2d, zslab):
    mesh = plsc.VectorSubcoreMesh(core_axis_name="c", subcore_axis_name="s")

    @functools.partial(
        pl.kernel,
        out_type=jax.ShapeDtypeStruct((NC, N_ACC, D), jnp.float32),
        mesh=mesh,
        scratch_types=(
            [pltpu.VMEM_SHARED((N_ACC, D), jnp.float32)]
            + [pltpu.VMEM((HC, CHUNK), jnp.int32)] * 2
            + [pltpu.VMEM((CHUNK, D), jnp.float32)] * NBUF
            + [pltpu.SemaphoreType.DMA] * (NBUF + 1)
        ),
    )
    def agg(h_hbm, row_hbm, col_hbm, z_hbm, out_hbm, acc, row_v, col_v, *rest):
        bufs = rest[:NBUF]
        gs = rest[NBUF:2 * NBUF]
        zs = rest[2 * NBUF]
        c = lax.axis_index("c")
        s = lax.axis_index("s")
        base = (c * NS + s) * CPT
        pltpu.async_copy(z_hbm, acc.at[pl.ds(s * ZROWS, ZROWS)], zs)
        pltpu.async_copy(row_hbm.at[pl.ds(base, HC)], row_v, gs[0])
        pltpu.async_copy(col_hbm.at[pl.ds(base, HC)], col_v, gs[1])
        pltpu.make_async_copy(z_hbm, acc.at[pl.ds(s * ZROWS, ZROWS)], zs).wait()
        pltpu.make_async_copy(row_hbm.at[pl.ds(base, HC)], row_v, gs[0]).wait()
        pltpu.make_async_copy(col_hbm.at[pl.ds(base, HC)], col_v, gs[1]).wait()
        plsc.subcore_barrier()

        for p in range(NPH):
            if p > 0:
                pltpu.sync_copy(row_hbm.at[pl.ds(base + p * HC, HC)], row_v)
                pltpu.sync_copy(col_hbm.at[pl.ds(base + p * HC, HC)], col_v)

            for b in range(NBUF):
                pltpu.async_copy(h_hbm.at[row_v.at[b]], bufs[b], gs[b])

            @pl.loop(0, HC // NBUF)
            def _(i):
                jbase = i * NBUF
                for b in range(NBUF):
                    j = jbase + b
                    pltpu.make_async_copy(
                        h_hbm.at[row_v.at[j]], bufs[b], gs[b]).wait()
                    pltpu.sync_copy(bufs[b], acc.at[col_v.at[j]], add=True)
                    jn = jbase + NBUF + b

                    @pl.when(jn < HC)
                    def _(b=b, jn=jn):
                        pltpu.async_copy(h_hbm.at[row_v.at[jn]], bufs[b], gs[b])

        plsc.subcore_barrier()
        pltpu.sync_copy(acc.at[pl.ds(s * ZROWS, ZROWS)],
                        out_hbm.at[c, pl.ds(s * ZROWS, ZROWS)])

    return agg(h, row2d, col2d, zslab)


_BM = 2000
_EB = 256
_EROWS = E // CHUNK


_MB = N // (ROWS2D // _EB)


def _tc_prep_mm(ei3, x, W):
    def body(r_ref, c_ref, x_ref, w_ref, h_ref, ro_ref, co_ref):
        i = pl.program_id(0)
        h_ref[...] = jnp.dot(x_ref[...], w_ref[...],
                             preferred_element_type=jnp.float32)
        rr = jax.lax.broadcasted_iota(jnp.int32, (_EB, CHUNK), 0) + i * _EB
        cc = jax.lax.broadcasted_iota(jnp.int32, (_EB, CHUNK), 1)
        pos = rr * CHUNK + cc
        is_pad = rr >= _EROWS
        ro_ref[...] = jnp.where(is_pad, pos % N, r_ref[0])
        co_ref[...] = jnp.where(is_pad, N + pos % (N_ACC - N), c_ref[0])

    return pl.pallas_call(
        body,
        grid=(ROWS2D // _EB,),
        in_specs=[pl.BlockSpec((1, _EB, CHUNK), lambda i: (0, i, 0)),
                  pl.BlockSpec((1, _EB, CHUNK), lambda i: (1, i, 0)),
                  pl.BlockSpec((_MB, D), lambda i: (i, 0)),
                  pl.BlockSpec((D, D), lambda i: (0, 0))],
        out_specs=[pl.BlockSpec((_MB, D), lambda i: (i, 0)),
                   pl.BlockSpec((_EB, CHUNK), lambda i: (i, 0)),
                   pl.BlockSpec((_EB, CHUNK), lambda i: (i, 0))],
        out_shape=[jax.ShapeDtypeStruct((N, D), jnp.float32),
                   jax.ShapeDtypeStruct((ROWS2D, CHUNK), jnp.int32),
                   jax.ShapeDtypeStruct((ROWS2D, CHUNK), jnp.int32)],
    )(ei3, ei3, x, W)


def _tc_fuse_relu_mm(parts, b, W):
    def body(p_ref, b_ref, w_ref, o_ref):
        z = p_ref[0] + p_ref[1] + b_ref[...]
        h = jnp.maximum(z, 0.0)
        o_ref[...] = jnp.dot(h, w_ref[...], preferred_element_type=jnp.float32)

    return pl.pallas_call(
        body,
        grid=(N // _BM,),
        in_specs=[pl.BlockSpec((NC, _BM, D), lambda i: (0, i, 0)),
                  pl.BlockSpec((1, D), lambda i: (0, 0)),
                  pl.BlockSpec((D, D), lambda i: (0, 0))],
        out_specs=pl.BlockSpec((_BM, D), lambda i: (i, 0)),
        out_shape=jax.ShapeDtypeStruct((N, D), jnp.float32),
    )(parts, b, W)


def _tc_fuse_log_softmax(parts, b):
    def body(p_ref, b_ref, o_ref):
        z = p_ref[0] + p_ref[1] + b_ref[...]
        m = jnp.max(z, axis=-1, keepdims=True)
        ez = jnp.exp(z - m)
        lse = jnp.log(jnp.sum(ez, axis=-1, keepdims=True)) + m
        o_ref[...] = z - lse

    return pl.pallas_call(
        body,
        grid=(N // _BM,),
        in_specs=[pl.BlockSpec((NC, _BM, D), lambda i: (0, i, 0)),
                  pl.BlockSpec((1, D), lambda i: (0, 0))],
        out_specs=pl.BlockSpec((_BM, D), lambda i: (i, 0)),
        out_shape=jax.ShapeDtypeStruct((N, D), jnp.float32),
    )(parts, b)


def kernel(x, edge_index, W1, b1, W2, b2):
    zslab = jnp.zeros((ZROWS, D), jnp.float32)
    h, row2d, col2d = _tc_prep_mm(
        edge_index.reshape(2, _EROWS, CHUNK), x, W1)
    p1 = _sc_aggregate(h, row2d, col2d, zslab)
    h2 = _tc_fuse_relu_mm(p1, b1.reshape(1, D), W2)
    p2 = _sc_aggregate(h2, row2d, col2d, zslab)
    return _tc_fuse_log_softmax(p2, b2.reshape(1, D))

# --- scband reference (transcript-rebuilt; emitter-appended) ---
"""Pipeline reference for scband-gcn-guard-33603824124476 (READ-ONLY COPY).

The authoritative reference and input builder live on the scoring server;
editing this copy changes nothing except your own understanding.
"""

import jax, jax.numpy as jnp
import numpy as np

N = 10000
E = 320000
D_IN = 128
D_HID = 128
D_OUT = 128


def setup_inputs(seed: int = 0) -> dict:
    key = jax.random.key(seed)
    k1, k2, k3, k4, k5, k6 = jax.random.split(key, 6)
    x = jax.random.normal(k1, (N, D_IN), dtype=jnp.float32)
    edge_index = jax.random.randint(k2, (2, E), 0, N, dtype=jnp.int32)
    # GCN_Guard_Conv parameters (glorot-ish init)
    W1 = jax.random.normal(k3, (D_IN, D_HID), dtype=jnp.float32) * (1.0 / np.sqrt(D_IN))
    b1 = jnp.zeros((D_HID,), dtype=jnp.float32)
    W2 = jax.random.normal(k4, (D_HID, D_OUT), dtype=jnp.float32) * (1.0 / np.sqrt(D_HID))
    b2 = jnp.zeros((D_OUT,), dtype=jnp.float32)
    return {"x": x, "edge_index": edge_index, "W1": W1, "b1": b1, "W2": W2, "b2": b2}


def _gcn_conv(x, row, col, edge_weight, W, b, n_nodes):
    # GCN_Guard_Conv: linear transform then weighted message passing
    # out[dst] = sum_{(src,dst) in E} edge_weight * (x @ W)[src] + b
    h = x @ W
    msg = edge_weight[:, None] * jnp.take(h, row, axis=0)
    out = jnp.zeros((n_nodes, h.shape[1]), dtype=h.dtype).at[col].add(msg)
    return out + b


def reference(x, edge_index, W1, b1, W2, b2):
    # attention=False path of GCN_Guard.forward:
    # adj built from edge_index with all-ones values; gc1 -> relu -> (dropout, eval mode) -> gc2 -> log_softmax
    row = edge_index[0]
    col = edge_index[1]
    edge_weight = jnp.ones((edge_index.shape[1],), dtype=jnp.float32)
    h = _gcn_conv(x, row, col, edge_weight, W1, b1, N)
    h = jax.nn.relu(h)
    # F.dropout with training=False is identity in eval
    out = _gcn_conv(h, row, col, edge_weight, W2, b2, N)
    return jax.nn.log_softmax(out, axis=1)

if __name__ == "__main__":
    import jax
    _d = setup_inputs()
    print(jax.jit(kernel)(*tuple(_d.values())))

</pallas_src>

<mosaic_0001>
#map = affine_map<(d0, d1) -> (0, 0)>
#map1 = affine_map<(d0, d1) -> (0, 0, 0)>
module attributes {stable_mosaic.version = 14 : i64} {
  func.func @agg(%arg0: i32, %arg1: i32, %arg2: memref<10000x128xf32, #tpu.memory_space<hbm>>, %arg3: memref<2560x128xi32, #tpu.memory_space<hbm>>, %arg4: memref<2560x128xi32, #tpu.memory_space<hbm>>, %arg5: memref<632x128xf32, #tpu.memory_space<hbm>>, %arg6: memref<2x10112x128xf32, #tpu.memory_space<hbm>>, %arg7: memref<10112x128xf32, #tpu.memory_space<vmem_shared>>, %arg8: memref<40x128xi32, #tpu.memory_space<vmem>>, %arg9: memref<40x128xi32, #tpu.memory_space<vmem>>, %arg10: memref<128x128xf32, #tpu.memory_space<vmem>>, %arg11: memref<128x128xf32, #tpu.memory_space<vmem>>, %arg12: memref<!tpu.dma_semaphore, #tpu.memory_space<semaphore_mem>>, %arg13: memref<!tpu.dma_semaphore, #tpu.memory_space<semaphore_mem>>, %arg14: memref<!tpu.dma_semaphore, #tpu.memory_space<semaphore_mem>>) attributes {dimension_semantics = [#tpu.dimension_semantics<core_parallel>, #tpu.dimension_semantics<subcore_parallel>], iteration_bounds = array<i64: 2, 16>, scalar_prefetch = 0 : i64, scratch_operands = 8 : i64, tpu.core_type = #tpu.core_type<sc_vector_subcore>, window_params = [{transform_indices = #map}, {transform_indices = #map}, {transform_indices = #map}, {transform_indices = #map}, {transform_indices = #map1}]} {
    %mul3A = arith.constant 16 : i32
    %mul3A_0 = arith.muli %arg0, %mul3A : i32
    %add3A = arith.addi %mul3A_0, %arg1 : i32
    %mul3A_1 = arith.constant 80 : i32
    %mul3A_2 = arith.muli %add3A, %mul3A_1 : i32
    %mul3A_3 = arith.constant 632 : i32
    %mul3A_4 = arith.muli %arg1, %mul3A_3 : i32
    %dma_start3A = arith.constant 0 : i32
    %dma_start3A_5 = tpu.memref_slice %arg7[%mul3A_4, %dma_start3A] : memref<10112x128xf32, #tpu.memory_space<vmem_shared>> -> memref<632x128xf32, #tpu.memory_space<vmem_shared>>
    tpu.enqueue_dma source(%arg5 : memref<632x128xf32, #tpu.memory_space<hbm>>) target(%dma_start3A_5 : memref<632x128xf32, #tpu.memory_space<vmem_shared>>) target_semaphore(%arg14 : memref<!tpu.dma_semaphore, #tpu.memory_space<semaphore_mem>>)
    %dma_start3A_6 = arith.constant 0 : i32
    %dma_start3A_7 = tpu.memref_slice %arg3[%mul3A_2, %dma_start3A_6] : memref<2560x128xi32, #tpu.memory_space<hbm>> -> memref<40x128xi32, #tpu.memory_space<hbm>>
    %dma_start3A_8 = arith.constant 0 : i32
    %dma_start3A_9 = tpu.memref_slice %arg3[%mul3A_2, %dma_start3A_8] : memref<2560x128xi32, #tpu.memory_space<hbm>> -> memref<40x128xi32, #tpu.memory_space<hbm>>
    tpu.enqueue_dma source(%dma_start3A_9 : memref<40x128xi32, #tpu.memory_space<hbm>>) target(%arg8 : memref<40x128xi32, #tpu.memory_space<vmem>>) target_semaphore(%arg12 : memref<!tpu.dma_semaphore, #tpu.memory_space<semaphore_mem>>)
    %dma_start3A_10 = arith.constant 0 : i32
    %dma_start3A_11 = tpu.memref_slice %arg4[%mul3A_2, %dma_start3A_10] : memref<2560x128xi32, #tpu.memory_space<hbm>> -> memref<40x128xi32, #tpu.memory_space<hbm>>
    %dma_start3A_12 = arith.constant 0 : i32
    %dma_start3A_13 = tpu.memref_slice %arg4[%mul3A_2, %dma_start3A_12] : memref<2560x128xi32, #tpu.memory_space<hbm>> -> memref<40x128xi32, #tpu.memory_space<hbm>>
    tpu.enqueue_dma source(%dma_start3A_13 : memref<40x128xi32, #tpu.memory_space<hbm>>) target(%arg9 : memref<40x128xi32, #tpu.memory_space<vmem>>) target_semaphore(%arg13 : memref<!tpu.dma_semaphore, #tpu.memory_space<semaphore_mem>>)
    %mul3A_14 = arith.constant 632 : i32
    %mul3A_15 = arith.muli %arg1, %mul3A_14 : i32
    %dma_wait3A = arith.constant 0 : i32
    %dma_wait3A_16 = tpu.memref_slice %arg7[%mul3A_15, %dma_wait3A] : memref<10112x128xf32, #tpu.memory_space<vmem_shared>> -> memref<632x128xf32, #tpu.memory_space<vmem_shared>>
    tpu.wait_dma2 semaphore(%arg14 : memref<!tpu.dma_semaphore, #tpu.memory_space<semaphore_mem>>) src(%arg5 : memref<632x128xf32, #tpu.memory_space<hbm>>) dst(%dma_wait3A_16 : memref<632x128xf32, #tpu.memory_space<vmem_shared>>)
    %dma_wait3A_17 = arith.constant 0 : i32
    %dma_wait3A_18 = tpu.memref_slice %arg3[%mul3A_2, %dma_wait3A_17] : memref<2560x128xi32, #tpu.memory_space<hbm>> -> memref<40x128xi32, #tpu.memory_space<hbm>>
    %dma_wait3A_19 = arith.constant 0 : i32
    %dma_wait3A_20 = tpu.memref_slice %arg3[%mul3A_2, %dma_wait3A_19] : memref<2560x128xi32, #tpu.memory_space<hbm>> -> memref<40x128xi32, #tpu.memory_space<hbm>>
    tpu.wait_dma2 semaphore(%arg12 : memref<!tpu.dma_semaphore, #tpu.memory_space<semaphore_mem>>) src(%dma_wait3A_20 : memref<40x128xi32, #tpu.memory_space<hbm>>) dst(%arg8 : memref<40x128xi32, #tpu.memory_space<vmem>>)
    %dma_wait3A_21 = arith.constant 0 : i32
    %dma_wait3A_22 = tpu.memref_slice %arg4[%mul3A_2, %dma_wait3A_21] : memref<2560x128xi32, #tpu.memory_space<hbm>> -> memref<40x128xi32, #tpu.memory_space<hbm>>
    %dma_wait3A_23 = arith.constant 0 : i32
    %dma_wait3A_24 = tpu.memref_slice %arg4[%mul3A_2, %dma_wait3A_23] : memref<2560x128xi32, #tpu.memory_space<hbm>> -> memref<40x128xi32, #tpu.memory_space<hbm>>
    tpu.wait_dma2 semaphore(%arg13 : memref<!tpu.dma_semaphore, #tpu.memory_space<semaphore_mem>>) src(%dma_wait3A_24 : memref<40x128xi32, #tpu.memory_space<hbm>>) dst(%arg9 : memref<40x128xi32, #tpu.memory_space<vmem>>)
    %barrier3A = arith.constant 0 : index
    tpu.barrier barrier_id(%barrier3A)
    %dma_start3A_25 = arith.constant 0 : i32
    %dma_start3A_26 = arith.constant 0 : i32
    %dma_start3A_27 = tpu.memref_slice %arg8[%dma_start3A_25, %dma_start3A_26] : memref<40x128xi32, #tpu.memory_space<vmem>> -> memref<1x128xi32, #tpu.memory_space<vmem>>
    %dma_start3A_28 = tpu.memref_squeeze %dma_start3A_27 : memref<1x128xi32, #tpu.memory_space<vmem>> -> memref<128xi32, #tpu.memory_space<vmem>>
    %dma_start3A_29 = arith.constant 0 : i32
    %dma_start3A_30 = arith.constant 0 : i32
    %dma_start3A_31 = tpu.memref_slice %arg2[%dma_start3A_29, %dma_start3A_30] : memref<10000x128xf32, #tpu.memory_space<hbm>> -> memref<10000x128xf32, #tpu.memory_space<hbm>>
    tpu.enqueue_indirect_dma source(%dma_start3A_31 : memref<10000x128xf32, #tpu.memory_space<hbm>>) target(%arg10 : memref<128x128xf32, #tpu.memory_space<vmem>>) offsets(%dma_start3A_28 : memref<128xi32, #tpu.memory_space<vmem>>) semaphore(%arg12 : memref<!tpu.dma_semaphore, #tpu.memory_space<semaphore_mem>>)
    %dma_start3A_32 = arith.constant 1 : i32
    %dma_start3A_33 = arith.constant 0 : i32
    %dma_start3A_34 = tpu.memref_slice %arg8[%dma_start3A_32, %dma_start3A_33] : memref<40x128xi32, #tpu.memory_space<vmem>> -> memref<1x128xi32, #tpu.memory_space<vmem>>
    %dma_start3A_35 = tpu.memref_squeeze %dma_start3A_34 : memref<1x128xi32, #tpu.memory_space<vmem>> -> memref<128xi32, #tpu.memory_space<vmem>>
    %dma_start3A_36 = arith.constant 0 : i32
    %dma_start3A_37 = arith.constant 0 : i32
    %dma_start3A_38 = tpu.memref_slice %arg2[%dma_start3A_36, %dma_start3A_37] : memref<10000x128xf32, #tpu.memory_space<hbm>> -> memref<10000x128xf32, #tpu.memory_space<hbm>>
    tpu.enqueue_indirect_dma source(%dma_start3A_38 : memref<10000x128xf32, #tpu.memory_space<hbm>>) target(%arg11 : memref<128x128xf32, #tpu.memory_space<vmem>>) offsets(%dma_start3A_35 : memref<128xi32, #tpu.memory_space<vmem>>) semaphore(%arg13 : memref<!tpu.dma_semaphore, #tpu.memory_space<semaphore_mem>>)
    %scan3A = arith.constant 0 : i32
    %scan3A_39 = arith.constant 20 : i32
    %scan3A_40 = arith.addi %scan3A, %scan3A_39 : i32
    %scan3A_41 = arith.constant 1 : i32
    scf.for %scan3A_71 = %scan3A to %scan3A_40 step %scan3A_41  : i32 {
      %mul3A_72 = arith.constant 1 : i32
      %mul3A_73 = arith.muli %scan3A_71, %mul3A_72 : i32
      %add3A_74 = arith.constant 0 : i32
      %add3A_75 = arith.addi %add3A_74, %mul3A_73 : i32
      %mul3A_76 = arith.constant 2 : i32
      %mul3A_77 = arith.muli %add3A_75, %mul3A_76 : i32
      %add3A_78 = arith.constant 0 : i32
      %add3A_79 = arith.addi %mul3A_77, %add3A_78 : i32
      %dma_wait3A_80 = arith.constant 0 : i32
      %dma_wait3A_81 = tpu.memref_slice %arg8[%add3A_79, %dma_wait3A_80] : memref<40x128xi32, #tpu.memory_space<vmem>> -> memref<1x128xi32, #tpu.memory_space<vmem>>
      %dma_wait3A_82 = tpu.memref_squeeze %dma_wait3A_81 : memref<1x128xi32, #tpu.memory_space<vmem>> -> memref<128xi32, #tpu.memory_space<vmem>>
      %dma_wait3A_83 = arith.constant 0 : i32
      %dma_wait3A_84 = arith.constant 0 : i32
      %dma_wait3A_85 = tpu.memref_slice %arg2[%dma_wait3A_83, %dma_wait3A_84] : memref<10000x128xf32, #tpu.memory_space<hbm>> -> memref<10000x128xf32, #tpu.memory_space<hbm>>
      tpu.wait_indirect_dma semaphore(%arg12 : memref<!tpu.dma_semaphore, #tpu.memory_space<semaphore_mem>>) src(%dma_wait3A_85 : memref<10000x128xf32, #tpu.memory_space<hbm>>) dst(%arg10 : memref<128x128xf32, #tpu.memory_space<vmem>>)
      "tpu.region"() ({
        %run_scoped3A = tpu.sem_alloc : memref<!tpu.dma_semaphore, #tpu.memory_space<semaphore_mem>>
        %dma_start3A_109 = arith.constant 0 : i32
        %dma_start3A_110 = tpu.memref_slice %arg9[%add3A_79, %dma_start3A_109] : memref<40x128xi32, #tpu.memory_space<vmem>> -> memref<1x128xi32, #tpu.memory_space<vmem>>
        %dma_start3A_111 = tpu.memref_squeeze %dma_start3A_110 : memref<1x128xi32, #tpu.memory_space<vmem>> -> memref<128xi32, #tpu.memory_space<vmem>>
        %dma_start3A_112 = arith.constant 0 : i32
        %dma_start3A_113 = arith.constant 0 : i32
        %dma_start3A_114 = tpu.memref_slice %arg7[%dma_start3A_112, %dma_start3A_113] : memref<10112x128xf32, #tpu.memory_space<vmem_shared>> -> memref<10112x128xf32, #tpu.memory_space<vmem_shared>>
        tpu.enqueue_indirect_dma source(%arg10 : memref<128x128xf32, #tpu.memory_space<vmem>>) target(%dma_start3A_114 : memref<10112x128xf32, #tpu.memory_space<vmem_shared>>) offsets(%dma_start3A_111 : memref<128xi32, #tpu.memory_space<vmem>>) semaphore(%run_scoped3A : memref<!tpu.dma_semaphore, #tpu.memory_space<semaphore_mem>>) {add = true}
        %dma_wait3A_115 = arith.constant 0 : i32
        %dma_wait3A_116 = tpu.memref_slice %arg9[%add3A_79, %dma_wait3A_115] : memref<40x128xi32, #tpu.memory_space<vmem>> -> memref<1x128xi32, #tpu.memory_space<vmem>>
        %dma_wait3A_117 = tpu.memref_squeeze %dma_wait3A_116 : memref<1x128xi32, #tpu.memory_space<vmem>> -> memref<128xi32, #tpu.memory_space<vmem>>
        %dma_wait3A_118 = arith.constant 0 : i32
        %dma_wait3A_119 = arith.constant 0 : i32
        %dma_wait3A_120 = tpu.memref_slice %arg7[%dma_wait3A_118, %dma_wait3A_119] : memref<10112x128xf32, #tpu.memory_space<vmem_shared>> -> memref<10112x128xf32, #tpu.memory_space<vmem_shared>>
        tpu.wait_indirect_dma semaphore(%run_scoped3A : memref<!tpu.dma_semaphore, #tpu.memory_space<semaphore_mem>>) src(%arg10 : memref<128x128xf32, #tpu.memory_space<vmem>>) dst(%dma_wait3A_120 : memref<10112x128xf32, #tpu.memory_space<vmem_shared>>)
        tpu.yield
      }) : () -> ()
      %add3A_86 = arith.constant 2 : i32
      %add3A_87 = arith.addi %mul3A_77, %add3A_86 : i32
      %add3A_88 = arith.constant 0 : i32
      %add3A_89 = arith.addi %add3A_87, %add3A_88 : i32
      %lt3A = arith.constant 40 : i32
      %lt3A_90 = arith.cmpi slt, %add3A_89, %lt3A : i32
      %convert_element_type3A = arith.extui %lt3A_90 : i1 to i32
      %cond3A = arith.constant 0 : i32
      %cond3A_91 = arith.cmpi ne, %convert_element_type3A, %cond3A : i32
      scf.if %cond3A_91 {
        %dma_start3A_109 = arith.constant 0 : i32
        %dma_start3A_110 = tpu.memref_slice %arg8[%add3A_89, %dma_start3A_109] : memref<40x128xi32, #tpu.memory_space<vmem>> -> memref<1x128xi32, #tpu.memory_space<vmem>>
        %dma_start3A_111 = tpu.memref_squeeze %dma_start3A_110 : memref<1x128xi32, #tpu.memory_space<vmem>> -> memref<128xi32, #tpu.memory_space<vmem>>
        %dma_start3A_112 = arith.constant 0 : i32
        %dma_start3A_113 = arith.constant 0 : i32
        %dma_start3A_114 = tpu.memref_slice %arg2[%dma_start3A_112, %dma_start3A_113] : memref<10000x128xf32, #tpu.memory_space<hbm>> -> memref<10000x128xf32, #tpu.memory_space<hbm>>
        tpu.enqueue_indirect_dma source(%dma_start3A_114 : memref<10000x128xf32, #tpu.memory_space<hbm>>) target(%arg10 : memref<128x128xf32, #tpu.memory_space<vmem>>) offsets(%dma_start3A_111 : memref<128xi32, #tpu.memory_space<vmem>>) semaphore(%arg12 : memref<!tpu.dma_semaphore, #tpu.memory_space<semaphore_mem>>)
      } else {
      }
      %add3A_92 = arith.constant 1 : i32
      %add3A_93 = arith.addi %mul3A_77, %add3A_92 : i32
      %dma_wait3A_94 = arith.constant 0 : i32
      %dma_wait3A_95 = tpu.memref_slice %arg8[%add3A_93, %dma_wait3A_94] : memref<40x128xi32, #tpu.memory_space<vmem>> -> memref<1x128xi32, #tpu.memory_space<vmem>>
      %dma_wait3A_96 = tpu.memref_squeeze %dma_wait3A_95 : memref<1x128xi32, #tpu.memory_space<vmem>> -> memref<128xi32, #tpu.memory_space<vmem>>
      %dma_wait3A_97 = arith.constant 0 : i32
      %dma_wait3A_98 = arith.constant 0 : i32
      %dma_wait3A_99 = tpu.memref_slice %arg2[%dma_wait3A_97, %dma_wait3A_98] : memref<10000x128xf32, #tpu.memory_space<hbm>> -> memref<10000x128xf32, #tpu.memory_space<hbm>>
      tpu.wait_indirect_dma semaphore(%arg13 : memref<!tpu.dma_semaphore, #tpu.memory_space<semaphore_mem>>) src(%dma_wait3A_99 : memref<10000x128xf32, #tpu.memory_space<hbm>>) dst(%arg11 : memref<128x128xf32, #tpu.memory_space<vmem>>)
      "tpu.region"() ({
        %run_scoped3A = tpu.sem_alloc : memref<!tpu.dma_semaphore, #tpu.memory_space<semaphore_mem>>
        %dma_start3A_109 = arith.constant 0 : i32
        %dma_start3A_110 = tpu.memref_slice %arg9[%add3A_93, %dma_start3A_109] : memref<40x128xi32, #tpu.memory_space<vmem>> -> memref<1x128xi32, #tpu.memory_space<vmem>>
        %dma_start3A_111 = tpu.memref_squeeze %dma_start3A_110 : memref<1x128xi32, #tpu.memory_space<vmem>> -> memref<128xi32, #tpu.memory_space<vmem>>
        %dma_start3A_112 = arith.constant 0 : i32
        %dma_start3A_113 = arith.constant 0 : i32
        %dma_start3A_114 = tpu.memref_slice %arg7[%dma_start3A_112, %dma_start3A_113] : memref<10112x128xf32, #tpu.memory_space<vmem_shared>> -> memref<10112x128xf32, #tpu.memory_space<vmem_shared>>
        tpu.enqueue_indirect_dma source(%arg11 : memref<128x128xf32, #tpu.memory_space<vmem>>) target(%dma_start3A_114 : memref<10112x128xf32, #tpu.memory_space<vmem_shared>>) offsets(%dma_start3A_111 : memref<128xi32, #tpu.memory_space<vmem>>) semaphore(%run_scoped3A : memref<!tpu.dma_semaphore, #tpu.memory_space<semaphore_mem>>) {add = true}
        %dma_wait3A_115 = arith.constant 0 : i32
        %dma_wait3A_116 = tpu.memref_slice %arg9[%add3A_93, %dma_wait3A_115] : memref<40x128xi32, #tpu.memory_space<vmem>> -> memref<1x128xi32, #tpu.memory_space<vmem>>
        %dma_wait3A_117 = tpu.memref_squeeze %dma_wait3A_116 : memref<1x128xi32, #tpu.memory_space<vmem>> -> memref<128xi32, #tpu.memory_space<vmem>>
        %dma_wait3A_118 = arith.constant 0 : i32
        %dma_wait3A_119 = arith.constant 0 : i32
        %dma_wait3A_120 = tpu.memref_slice %arg7[%dma_wait3A_118, %dma_wait3A_119] : memref<10112x128xf32, #tpu.memory_space<vmem_shared>> -> memref<10112x128xf32, #tpu.memory_space<vmem_shared>>
        tpu.wait_indirect_dma semaphore(%run_scoped3A : memref<!tpu.dma_semaphore, #tpu.memory_space<semaphore_mem>>) src(%arg11 : memref<128x128xf32, #tpu.memory_space<vmem>>) dst(%dma_wait3A_120 : memref<10112x128xf32, #tpu.memory_space<vmem_shared>>)
        tpu.yield
      }) : () -> ()
      %add3A_100 = arith.constant 2 : i32
      %add3A_101 = arith.addi %mul3A_77, %add3A_100 : i32
      %add3A_102 = arith.constant 1 : i32
      %add3A_103 = arith.addi %add3A_101, %add3A_102 : i32
      %lt3A_104 = arith.constant 40 : i32
      %lt3A_105 = arith.cmpi slt, %add3A_103, %lt3A_104 : i32
      %convert_element_type3A_106 = arith.extui %lt3A_105 : i1 to i32
      %cond3A_107 = arith.constant 0 : i32
      %cond3A_108 = arith.cmpi ne, %convert_element_type3A_106, %cond3A_107 : i32
      scf.if %cond3A_108 {
        %dma_start3A_109 = arith.constant 0 : i32
        %dma_start3A_110 = tpu.memref_slice %arg8[%add3A_103, %dma_start3A_109] : memref<40x128xi32, #tpu.memory_space<vmem>> -> memref<1x128xi32, #tpu.memory_space<vmem>>
        %dma_start3A_111 = tpu.memref_squeeze %dma_start3A_110 : memref<1x128xi32, #tpu.memory_space<vmem>> -> memref<128xi32, #tpu.memory_space<vmem>>
        %dma_start3A_112 = arith.constant 0 : i32
        %dma_start3A_113 = arith.constant 0 : i32
        %dma_start3A_114 = tpu.memref_slice %arg2[%dma_start3A_112, %dma_start3A_113] : memref<10000x128xf32, #tpu.memory_space<hbm>> -> memref<10000x128xf32, #tpu.memory_space<hbm>>
        tpu.enqueue_indirect_dma source(%dma_start3A_114 : memref<10000x128xf32, #tpu.memory_space<hbm>>) target(%arg11 : memref<128x128xf32, #tpu.memory_space<vmem>>) offsets(%dma_start3A_111 : memref<128xi32, #tpu.memory_space<vmem>>) semaphore(%arg13 : memref<!tpu.dma_semaphore, #tpu.memory_space<semaphore_mem>>)
      } else {
      }
    }
    %scan3A_42 = arith.constant 20 : i32
    %add3A_43 = arith.constant 40 : i32
    %add3A_44 = arith.addi %mul3A_2, %add3A_43 : i32
    "tpu.region"() ({
      %run_scoped3A = tpu.sem_alloc : memref<!tpu.dma_semaphore, #tpu.memory_space<semaphore_mem>>
      %dma_start3A_71 = arith.constant 0 : i32
      %dma_start3A_72 = tpu.memref_slice %arg3[%add3A_44, %dma_start3A_71] : memref<2560x128xi32, #tpu.memory_space<hbm>> -> memref<40x128xi32, #tpu.memory_space<hbm>>
      %dma_start3A_73 = arith.constant 0 : i32
      %dma_start3A_74 = tpu.memref_slice %arg3[%add3A_44, %dma_start3A_73] : memref<2560x128xi32, #tpu.memory_space<hbm>> -> memref<40x128xi32, #tpu.memory_space<hbm>>
      tpu.enqueue_dma source(%dma_start3A_74 : memref<40x128xi32, #tpu.memory_space<hbm>>) target(%arg8 : memref<40x128xi32, #tpu.memory_space<vmem>>) target_semaphore(%run_scoped3A : memref<!tpu.dma_semaphore, #tpu.memory_space<semaphore_mem>>)
      %dma_wait3A_75 = arith.constant 0 : i32
      %dma_wait3A_76 = tpu.memref_slice %arg3[%add3A_44, %dma_wait3A_75] : memref<2560x128xi32, #tpu.memory_space<hbm>> -> memref<40x128xi32, #tpu.memory_space<hbm>>
      %dma_wait3A_77 = arith.constant 0 : i32
      %dma_wait3A_78 = tpu.memref_slice %arg3[%add3A_44, %dma_wait3A_77] : memref<2560x128xi32, #tpu.memory_space<hbm>> -> memref<40x128xi32, #tpu.memory_space<hbm>>
      tpu.wait_dma2 semaphore(%run_scoped3A : memref<!tpu.dma_semaphore, #tpu.memory_space<semaphore_mem>>) src(%dma_wait3A_78 : memref<40x128xi32, #tpu.memory_space<hbm>>) dst(%arg8 : memref<40x128xi32, #tpu.memory_space<vmem>>)
      tpu.yield
    }) : () -> ()
    %add3A_45 = arith.constant 40 : i32
    %add3A_46 = arith.addi %mul3A_2, %add3A_45 : i32
    "tpu.region"() ({
      %run_scoped3A = tpu.sem_alloc : memref<!tpu.dma_semaphore, #tpu.memory_space<semaphore_mem>>
      %dma_start3A_71 = arith.constant 0 : i32
      %dma_start3A_72 = tpu.memref_slice %arg4[%add3A_46, %dma_start3A_71] : memref<2560x128xi32, #tpu.memory_space<hbm>> -> memref<40x128xi32, #tpu.memory_space<hbm>>
      %dma_start3A_73 = arith.constant 0 : i32
      %dma_start3A_74 = tpu.memref_slice %arg4[%add3A_46, %dma_start3A_73] : memref<2560x128xi32, #tpu.memory_space<hbm>> -> memref<40x128xi32, #tpu.memory_space<hbm>>
      tpu.enqueue_dma source(%dma_start3A_74 : memref<40x128xi32, #tpu.memory_space<hbm>>) target(%arg9 : memref<40x128xi32, #tpu.memory_space<vmem>>) target_semaphore(%run_scoped3A : memref<!tpu.dma_semaphore, #tpu.memory_space<semaphore_mem>>)
      %dma_wait3A_75 = arith.constant 0 : i32
      %dma_wait3A_76 = tpu.memref_slice %arg4[%add3A_46, %dma_wait3A_75] : memref<2560x128xi32, #tpu.memory_space<hbm>> -> memref<40x128xi32, #tpu.memory_space<hbm>>
      %dma_wait3A_77 = arith.constant 0 : i32
      %dma_wait3A_78 = tpu.memref_slice %arg4[%add3A_46, %dma_wait3A_77] : memref<2560x128xi32, #tpu.memory_space<hbm>> -> memref<40x128xi32, #tpu.memory_space<hbm>>
      tpu.wait_dma2 semaphore(%run_scoped3A : memref<!tpu.dma_semaphore, #tpu.memory_space<semaphore_mem>>) src(%dma_wait3A_78 : memref<40x128xi32, #tpu.memory_space<hbm>>) dst(%arg9 : memref<40x128xi32, #tpu.memory_space<vmem>>)
      tpu.yield
    }) : () -> ()
    %dma_start3A_47 = arith.constant 0 : i32
    %dma_start3A_48 = arith.constant 0 : i32
    %dma_start3A_49 = tpu.memref_slice %arg8[%dma_start3A_47, %dma_start3A_48] : memref<40x128xi32, #tpu.memory_space<vmem>> -> memref<1x128xi32, #tpu.memory_space<vmem>>
    %dma_start3A_50 = tpu.memref_squeeze %dma_start3A_49 : memref<1x128xi32, #tpu.memory_space<vmem>> -> memref<128xi32, #tpu.memory_space<vmem>>
    %dma_start3A_51 = arith.constant 0 : i32
    %dma_start3A_52 = arith.constant 0 : i32
    %dma_start3A_53 = tpu.memref_slice %arg2[%dma_start3A_51, %dma_start3A_52] : memref<10000x128xf32, #tpu.memory_space<hbm>> -> memref<10000x128xf32, #tpu.memory_space<hbm>>
    tpu.enqueue_indirect_dma source(%dma_start3A_53 : memref<10000x128xf32, #tpu.memory_space<hbm>>) target(%arg10 : memref<128x128xf32, #tpu.memory_space<vmem>>) offsets(%dma_start3A_50 : memref<128xi32, #tpu.memory_space<vmem>>) semaphore(%arg12 : memref<!tpu.dma_semaphore, #tpu.memory_space<semaphore_mem>>)
    %dma_start3A_54 = arith.constant 1 : i32
    %dma_start3A_55 = arith.constant 0 : i32
    %dma_start3A_56 = tpu.memref_slice %arg8[%dma_start3A_54, %dma_start3A_55] : memref<40x128xi32, #tpu.memory_space<vmem>> -> memref<1x128xi32, #tpu.memory_space<vmem>>
    %dma_start3A_57 = tpu.memref_squeeze %dma_start3A_56 : memref<1x128xi32, #tpu.memory_space<vmem>> -> memref<128xi32, #tpu.memory_space<vmem>>
    %dma_start3A_58 = arith.constant 0 : i32
    %dma_start3A_59 = arith.constant 0 : i32
    %dma_start3A_60 = tpu.memref_slice %arg2[%dma_start3A_58, %dma_start3A_59] : memref<10000x128xf32, #tpu.memory_space<hbm>> -> memref<10000x128xf32, #tpu.memory_space<hbm>>
    tpu.enqueue_indirect_dma source(%dma_start3A_60 : memref<10000x128xf32, #tpu.memory_space<hbm>>) target(%arg11 : memref<128x128xf32, #tpu.memory_space<vmem>>) offsets(%dma_start3A_57 : memref<128xi32, #tpu.memory_space<vmem>>) semaphore(%arg13 : memref<!tpu.dma_semaphore, #tpu.memory_space<semaphore_mem>>)
    %scan3A_61 = arith.constant 0 : i32
    %scan3A_62 = arith.constant 20 : i32
    %scan3A_63 = arith.addi %scan3A_61, %scan3A_62 : i32
    %scan3A_64 = arith.constant 1 : i32
    scf.for %scan3A_71 = %scan3A_61 to %scan3A_63 step %scan3A_64  : i32 {
      %mul3A_72 = arith.constant 1 : i32
      %mul3A_73 = arith.muli %scan3A_71, %mul3A_72 : i32
      %add3A_74 = arith.constant 0 : i32
      %add3A_75 = arith.addi %add3A_74, %mul3A_73 : i32
      %mul3A_76 = arith.constant 2 : i32
      %mul3A_77 = arith.muli %add3A_75, %mul3A_76 : i32
      %add3A_78 = arith.constant 0 : i32
      %add3A_79 = arith.addi %mul3A_77, %add3A_78 : i32
      %dma_wait3A_80 = arith.constant 0 : i32
      %dma_wait3A_81 = tpu.memref_slice %arg8[%add3A_79, %dma_wait3A_80] : memref<40x128xi32, #tpu.memory_space<vmem>> -> memref<1x128xi32, #tpu.memory_space<vmem>>
      %dma_wait3A_82 = tpu.memref_squeeze %dma_wait3A_81 : memref<1x128xi32, #tpu.memory_space<vmem>> -> memref<128xi32, #tpu.memory_space<vmem>>
      %dma_wait3A_83 = arith.constant 0 : i32
      %dma_wait3A_84 = arith.constant 0 : i32
      %dma_wait3A_85 = tpu.memref_slice %arg2[%dma_wait3A_83, %dma_wait3A_84] : memref<10000x128xf32, #tpu.memory_space<hbm>> -> memref<10000x128xf32, #tpu.memory_space<hbm>>
      tpu.wait_indirect_dma semaphore(%arg12 : memref<!tpu.dma_semaphore, #tpu.memory_space<semaphore_mem>>) src(%dma_wait3A_85 : memref<10000x128xf32, #tpu.memory_space<hbm>>) dst(%arg10 : memref<128x128xf32, #tpu.memory_space<vmem>>)
      "tpu.region"() ({
        %run_scoped3A = tpu.sem_alloc : memref<!tpu.dma_semaphore, #tpu.memory_space<semaphore_mem>>
        %dma_start3A_109 = arith.constant 0 : i32
        %dma_start3A_110 = tpu.memref_slice %arg9[%add3A_79, %dma_start3A_109] : memref<40x128xi32, #tpu.memory_space<vmem>> -> memref<1x128xi32, #tpu.memory_space<vmem>>
        %dma_start3A_111 = tpu.memref_squeeze %dma_start3A_110 : memref<1x128xi32, #tpu.memory_space<vmem>> -> memref<128xi32, #tpu.memory_space<vmem>>
        %dma_start3A_112 = arith.constant 0 : i32
        %dma_start3A_113 = arith.constant 0 : i32
        %dma_start3A_114 = tpu.memref_slice %arg7[%dma_start3A_112, %dma_start3A_113] : memref<10112x128xf32, #tpu.memory_space<vmem_shared>> -> memref<10112x128xf32, #tpu.memory_space<vmem_shared>>
        tpu.enqueue_indirect_dma source(%arg10 : memref<128x128xf32, #tpu.memory_space<vmem>>) target(%dma_start3A_114 : memref<10112x128xf32, #tpu.memory_space<vmem_shared>>) offsets(%dma_start3A_111 : memref<128xi32, #tpu.memory_space<vmem>>) semaphore(%run_scoped3A : memref<!tpu.dma_semaphore, #tpu.memory_space<semaphore_mem>>) {add = true}
        %dma_wait3A_115 = arith.constant 0 : i32
        %dma_wait3A_116 = tpu.memref_slice %arg9[%add3A_79, %dma_wait3A_115] : memref<40x128xi32, #tpu.memory_space<vmem>> -> memref<1x128xi32, #tpu.memory_space<vmem>>
        %dma_wait3A_117 = tpu.memref_squeeze %dma_wait3A_116 : memref<1x128xi32, #tpu.memory_space<vmem>> -> memref<128xi32, #tpu.memory_space<vmem>>
        %dma_wait3A_118 = arith.constant 0 : i32
        %dma_wait3A_119 = arith.constant 0 : i32
        %dma_wait3A_120 = tpu.memref_slice %arg7[%dma_wait3A_118, %dma_wait3A_119] : memref<10112x128xf32, #tpu.memory_space<vmem_shared>> -> memref<10112x128xf32, #tpu.memory_space<vmem_shared>>
        tpu.wait_indirect_dma semaphore(%run_scoped3A : memref<!tpu.dma_semaphore, #tpu.memory_space<semaphore_mem>>) src(%arg10 : memref<128x128xf32, #tpu.memory_space<vmem>>) dst(%dma_wait3A_120 : memref<10112x128xf32, #tpu.memory_space<vmem_shared>>)
        tpu.yield
      }) : () -> ()
      %add3A_86 = arith.constant 2 : i32
      %add3A_87 = arith.addi %mul3A_77, %add3A_86 : i32
      %add3A_88 = arith.constant 0 : i32
      %add3A_89 = arith.addi %add3A_87, %add3A_88 : i32
      %lt3A = arith.constant 40 : i32
      %lt3A_90 = arith.cmpi slt, %add3A_89, %lt3A : i32
      %convert_element_type3A = arith.extui %lt3A_90 : i1 to i32
      %cond3A = arith.constant 0 : i32
      %cond3A_91 = arith.cmpi ne, %convert_element_type3A, %cond3A : i32
      scf.if %cond3A_91 {
        %dma_start3A_109 = arith.constant 0 : i32
        %dma_start3A_110 = tpu.memref_slice %arg8[%add3A_89, %dma_start3A_109] : memref<40x128xi32, #tpu.memory_space<vmem>> -> memref<1x128xi32, #tpu.memory_space<vmem>>
        %dma_start3A_111 = tpu.memref_squeeze %dma_start3A_110 : memref<1x128xi32, #tpu.memory_space<vmem>> -> memref<128xi32, #tpu.memory_space<vmem>>
        %dma_start3A_112 = arith.constant 0 : i32
        %dma_start3A_113 = arith.constant 0 : i32
        %dma_start3A_114 = tpu.memref_slice %arg2[%dma_start3A_112, %dma_start3A_113] : memref<10000x128xf32, #tpu.memory_space<hbm>> -> memref<10000x128xf32, #tpu.memory_space<hbm>>
        tpu.enqueue_indirect_dma source(%dma_start3A_114 : memref<10000x128xf32, #tpu.memory_space<hbm>>) target(%arg10 : memref<128x128xf32, #tpu.memory_space<vmem>>) offsets(%dma_start3A_111 : memref<128xi32, #tpu.memory_space<vmem>>) semaphore(%arg12 : memref<!tpu.dma_semaphore, #tpu.memory_space<semaphore_mem>>)
      } else {
      }
      %add3A_92 = arith.constant 1 : i32
      %add3A_93 = arith.addi %mul3A_77, %add3A_92 : i32
      %dma_wait3A_94 = arith.constant 0 : i32
      %dma_wait3A_95 = tpu.memref_slice %arg8[%add3A_93, %dma_wait3A_94] : memref<40x128xi32, #tpu.memory_space<vmem>> -> memref<1x128xi32, #tpu.memory_space<vmem>>
      %dma_wait3A_96 = tpu.memref_squeeze %dma_wait3A_95 : memref<1x128xi32, #tpu.memory_space<vmem>> -> memref<128xi32, #tpu.memory_space<vmem>>
      %dma_wait3A_97 = arith.constant 0 : i32
      %dma_wait3A_98 = arith.constant 0 : i32
      %dma_wait3A_99 = tpu.memref_slice %arg2[%dma_wait3A_97, %dma_wait3A_98] : memref<10000x128xf32, #tpu.memory_space<hbm>> -> memref<10000x128xf32, #tpu.memory_space<hbm>>
      tpu.wait_indirect_dma semaphore(%arg13 : memref<!tpu.dma_semaphore, #tpu.memory_space<semaphore_mem>>) src(%dma_wait3A_99 : memref<10000x128xf32, #tpu.memory_space<hbm>>) dst(%arg11 : memref<128x128xf32, #tpu.memory_space<vmem>>)
      "tpu.region"() ({
        %run_scoped3A = tpu.sem_alloc : memref<!tpu.dma_semaphore, #tpu.memory_space<semaphore_mem>>
        %dma_start3A_109 = arith.constant 0 : i32
        %dma_start3A_110 = tpu.memref_slice %arg9[%add3A_93, %dma_start3A_109] : memref<40x128xi32, #tpu.memory_space<vmem>> -> memref<1x128xi32, #tpu.memory_space<vmem>>
        %dma_start3A_111 = tpu.memref_squeeze %dma_start3A_110 : memref<1x128xi32, #tpu.memory_space<vmem>> -> memref<128xi32, #tpu.memory_space<vmem>>
        %dma_start3A_112 = arith.constant 0 : i32
        %dma_start3A_113 = arith.constant 0 : i32
        %dma_start3A_114 = tpu.memref_slice %arg7[%dma_start3A_112, %dma_start3A_113] : memref<10112x128xf32, #tpu.memory_space<vmem_shared>> -> memref<10112x128xf32, #tpu.memory_space<vmem_shared>>
        tpu.enqueue_indirect_dma source(%arg11 : memref<128x128xf32, #tpu.memory_space<vmem>>) target(%dma_start3A_114 : memref<10112x128xf32, #tpu.memory_space<vmem_shared>>) offsets(%dma_start3A_111 : memref<128xi32, #tpu.memory_space<vmem>>) semaphore(%run_scoped3A : memref<!tpu.dma_semaphore, #tpu.memory_space<semaphore_mem>>) {add = true}
        %dma_wait3A_115 = arith.constant 0 : i32
        %dma_wait3A_116 = tpu.memref_slice %arg9[%add3A_93, %dma_wait3A_115] : memref<40x128xi32, #tpu.memory_space<vmem>> -> memref<1x128xi32, #tpu.memory_space<vmem>>
        %dma_wait3A_117 = tpu.memref_squeeze %dma_wait3A_116 : memref<1x128xi32, #tpu.memory_space<vmem>> -> memref<128xi32, #tpu.memory_space<vmem>>
        %dma_wait3A_118 = arith.constant 0 : i32
        %dma_wait3A_119 = arith.constant 0 : i32
        %dma_wait3A_120 = tpu.memref_slice %arg7[%dma_wait3A_118, %dma_wait3A_119] : memref<10112x128xf32, #tpu.memory_space<vmem_shared>> -> memref<10112x128xf32, #tpu.memory_space<vmem_shared>>
        tpu.wait_indirect_dma semaphore(%run_scoped3A : memref<!tpu.dma_semaphore, #tpu.memory_space<semaphore_mem>>) src(%arg11 : memref<128x128xf32, #tpu.memory_space<vmem>>) dst(%dma_wait3A_120 : memref<10112x128xf32, #tpu.memory_space<vmem_shared>>)
        tpu.yield
      }) : () -> ()
      %add3A_100 = arith.constant 2 : i32
      %add3A_101 = arith.addi %mul3A_77, %add3A_100 : i32
      %add3A_102 = arith.constant 1 : i32
      %add3A_103 = arith.addi %add3A_101, %add3A_102 : i32
      %lt3A_104 = arith.constant 40 : i32
      %lt3A_105 = arith.cmpi slt, %add3A_103, %lt3A_104 : i32
      %convert_element_type3A_106 = arith.extui %lt3A_105 : i1 to i32
      %cond3A_107 = arith.constant 0 : i32
      %cond3A_108 = arith.cmpi ne, %convert_element_type3A_106, %cond3A_107 : i32
      scf.if %cond3A_108 {
        %dma_start3A_109 = arith.constant 0 : i32
        %dma_start3A_110 = tpu.memref_slice %arg8[%add3A_103, %dma_start3A_109] : memref<40x128xi32, #tpu.memory_space<vmem>> -> memref<1x128xi32, #tpu.memory_space<vmem>>
        %dma_start3A_111 = tpu.memref_squeeze %dma_start3A_110 : memref<1x128xi32, #tpu.memory_space<vmem>> -> memref<128xi32, #tpu.memory_space<vmem>>
        %dma_start3A_112 = arith.constant 0 : i32
        %dma_start3A_113 = arith.constant 0 : i32
        %dma_start3A_114 = tpu.memref_slice %arg2[%dma_start3A_112, %dma_start3A_113] : memref<10000x128xf32, #tpu.memory_space<hbm>> -> memref<10000x128xf32, #tpu.memory_space<hbm>>
        tpu.enqueue_indirect_dma source(%dma_start3A_114 : memref<10000x128xf32, #tpu.memory_space<hbm>>) target(%arg11 : memref<128x128xf32, #tpu.memory_space<vmem>>) offsets(%dma_start3A_111 : memref<128xi32, #tpu.memory_space<vmem>>) semaphore(%arg13 : memref<!tpu.dma_semaphore, #tpu.memory_space<semaphore_mem>>)
      } else {
      }
    }
    %scan3A_65 = arith.constant 20 : i32
    %barrier3A_66 = arith.constant 0 : index
    tpu.barrier barrier_id(%barrier3A_66)
    %mul3A_67 = arith.constant 632 : i32
    %mul3A_68 = arith.muli %arg1, %mul3A_67 : i32
    %mul3A_69 = arith.constant 632 : i32
    %mul3A_70 = arith.muli %arg1, %mul3A_69 : i32
    "tpu.region"() ({
      %run_scoped3A = tpu.sem_alloc : memref<!tpu.dma_semaphore, #tpu.memory_space<semaphore_mem>>
      %dma_start3A_71 = arith.constant 0 : i32
      %dma_start3A_72 = tpu.memref_slice %arg6[%arg0, %mul3A_70, %dma_start3A_71] : memref<2x10112x128xf32, #tpu.memory_space<hbm>> -> memref<1x632x128xf32, #tpu.memory_space<hbm>>
      %dma_start3A_73 = tpu.memref_squeeze %dma_start3A_72 : memref<1x632x128xf32, #tpu.memory_space<hbm>> -> memref<632x128xf32, #tpu.memory_space<hbm>>
      %dma_start3A_74 = arith.constant 0 : i32
      %dma_start3A_75 = tpu.memref_slice %arg7[%mul3A_68, %dma_start3A_74] : memref<10112x128xf32, #tpu.memory_space<vmem_shared>> -> memref<632x128xf32, #tpu.memory_space<vmem_shared>>
      tpu.enqueue_dma source(%dma_start3A_75 : memref<632x128xf32, #tpu.memory_space<vmem_shared>>) target(%dma_start3A_73 : memref<632x128xf32, #tpu.memory_space<hbm>>) target_semaphore(%run_scoped3A : memref<!tpu.dma_semaphore, #tpu.memory_space<semaphore_mem>>)
      %dma_wait3A_76 = arith.constant 0 : i32
      %dma_wait3A_77 = tpu.memref_slice %arg6[%arg0, %mul3A_70, %dma_wait3A_76] : memref<2x10112x128xf32, #tpu.memory_space<hbm>> -> memref<1x632x128xf32, #tpu.memory_space<hbm>>
      %dma_wait3A_78 = tpu.memref_squeeze %dma_wait3A_77 : memref<1x632x128xf32, #tpu.memory_space<hbm>> -> memref<632x128xf32, #tpu.memory_space<hbm>>
      %dma_wait3A_79 = arith.constant 0 : i32
      %dma_wait3A_80 = tpu.memref_slice %arg7[%mul3A_68, %dma_wait3A_79] : memref<10112x128xf32, #tpu.memory_space<vmem_shared>> -> memref<632x128xf32, #tpu.memory_space<vmem_shared>>
      tpu.wait_dma2 semaphore(%run_scoped3A : memref<!tpu.dma_semaphore, #tpu.memory_space<semaphore_mem>>) src(%dma_wait3A_80 : memref<632x128xf32, #tpu.memory_space<vmem_shared>>) dst(%dma_wait3A_78 : memref<632x128xf32, #tpu.memory_space<hbm>>)
      tpu.yield
    }) : () -> ()
    return
  }
}

#map = affine_map<(d0, d1) -> (0, 0)>
#map1 = affine_map<(d0, d1) -> (0, 0, 0)>
module attributes {stable_mosaic.version = 14 : i64} {
  func.func @agg(%arg0: i32, %arg1: i32, %arg2: memref<10000x128xf32, #tpu.memory_space<hbm>>, %arg3: memref<2560x128xi32, #tpu.memory_space<hbm>>, %arg4: memref<2560x128xi32, #tpu.memory_space<hbm>>, %arg5: memref<632x128xf32, #tpu.memory_space<hbm>>, %arg6: memref<2x10112x128xf32, #tpu.memory_space<hbm>>, %arg7: memref<10112x128xf32, #tpu.memory_space<vmem_shared>>, %arg8: memref<40x128xi32, #tpu.memory_space<vmem>>, %arg9: memref<40x128xi32, #tpu.memory_space<vmem>>, %arg10: memref<128x128xf32, #tpu.memory_space<vmem>>, %arg11: memref<128x128xf32, #tpu.memory_space<vmem>>, %arg12: memref<!tpu.dma_semaphore, #tpu.memory_space<semaphore_mem>>, %arg13: memref<!tpu.dma_semaphore, #tpu.memory_space<semaphore_mem>>, %arg14: memref<!tpu.dma_semaphore, #tpu.memory_space<semaphore_mem>>) attributes {dimension_semantics = [#tpu.dimension_semantics<core_parallel>, #tpu.dimension_semantics<subcore_parallel>], iteration_bounds = array<i64: 2, 16>, scalar_prefetch = 0 : i64, scratch_operands = 8 : i64, tpu.core_type = #tpu.core_type<sc_vector_subcore>, window_params = [{transform_indices = #map}, {transform_indices = #map}, {transform_indices = #map}, {transform_indices = #map}, {transform_indices = #map1}]} {
    %mul3A = arith.constant 16 : i32
    %mul3A_0 = arith.muli %arg0, %mul3A : i32
    %add3A = arith.addi %mul3A_0, %arg1 : i32
    %mul3A_1 = arith.constant 80 : i32
    %mul3A_2 = arith.muli %add3A, %mul3A_1 : i32
    %mul3A_3 = arith.constant 632 : i32
    %mul3A_4 = arith.muli %arg1, %mul3A_3 : i32
    %dma_start3A = arith.constant 0 : i32
    %dma_start3A_5 = tpu.memref_slice %arg7[%mul3A_4, %dma_start3A] : memref<10112x128xf32, #tpu.memory_space<vmem_shared>> -> memref<632x128xf32, #tpu.memory_space<vmem_shared>>
    tpu.enqueue_dma source(%arg5 : memref<632x128xf32, #tpu.memory_space<hbm>>) target(%dma_start3A_5 : memref<632x128xf32, #tpu.memory_space<vmem_shared>>) target_semaphore(%arg14 : memref<!tpu.dma_semaphore, #tpu.memory_space<semaphore_mem>>)
    %dma_start3A_6 = arith.constant 0 : i32
    %dma_start3A_7 = tpu.memref_slice %arg3[%mul3A_2, %dma_start3A_6] : memref<2560x128xi32, #tpu.memory_space<hbm>> -> memref<40x128xi32, #tpu.memory_space<hbm>>
    %dma_start3A_8 = arith.constant 0 : i32
    %dma_start3A_9 = tpu.memref_slice %arg3[%mul3A_2, %dma_start3A_8] : memref<2560x128xi32, #tpu.memory_space<hbm>> -> memref<40x128xi32, #tpu.memory_space<hbm>>
    tpu.enqueue_dma source(%dma_start3A_9 : memref<40x128xi32, #tpu.memory_space<hbm>>) target(%arg8 : memref<40x128xi32, #tpu.memory_space<vmem>>) target_semaphore(%arg12 : memref<!tpu.dma_semaphore, #tpu.memory_space<semaphore_mem>>)
    %dma_start3A_10 = arith.constant 0 : i32
    %dma_start3A_11 = tpu.memref_slice %arg4[%mul3A_2, %dma_start3A_10] : memref<2560x128xi32, #tpu.memory_space<hbm>> -> memref<40x128xi32, #tpu.memory_space<hbm>>
    %dma_start3A_12 = arith.constant 0 : i32
    %dma_start3A_13 = tpu.memref_slice %arg4[%mul3A_2, %dma_start3A_12] : memref<2560x128xi32, #tpu.memory_space<hbm>> -> memref<40x128xi32, #tpu.memory_space<hbm>>
    tpu.enqueue_dma source(%dma_start3A_13 : memref<40x128xi32, #tpu.memory_space<hbm>>) target(%arg9 : memref<40x128xi32, #tpu.memory_space<vmem>>) target_semaphore(%arg13 : memref<!tpu.dma_semaphore, #tpu.memory_space<semaphore_mem>>)
    %mul3A_14 = arith.constant 632 : i32
    %mul3A_15 = arith.muli %arg1, %mul3A_14 : i32
    %dma_wait3A = arith.constant 0 : i32
    %dma_wait3A_16 = tpu.memref_slice %arg7[%mul3A_15, %dma_wait3A] : memref<10112x128xf32, #tpu.memory_space<vmem_shared>> -> memref<632x128xf32, #tpu.memory_space<vmem_shared>>
    tpu.wait_dma2 semaphore(%arg14 : memref<!tpu.dma_semaphore, #tpu.memory_space<semaphore_mem>>) src(%arg5 : memref<632x128xf32, #tpu.memory_space<hbm>>) dst(%dma_wait3A_16 : memref<632x128xf32, #tpu.memory_space<vmem_shared>>)
    %dma_wait3A_17 = arith.constant 0 : i32
    %dma_wait3A_18 = tpu.memref_slice %arg3[%mul3A_2, %dma_wait3A_17] : memref<2560x128xi32, #tpu.memory_space<hbm>> -> memref<40x128xi32, #tpu.memory_space<hbm>>
    %dma_wait3A_19 = arith.constant 0 : i32
    %dma_wait3A_20 = tpu.memref_slice %arg3[%mul3A_2, %dma_wait3A_19] : memref<2560x128xi32, #tpu.memory_space<hbm>> -> memref<40x128xi32, #tpu.memory_space<hbm>>
    tpu.wait_dma2 semaphore(%arg12 : memref<!tpu.dma_semaphore, #tpu.memory_space<semaphore_mem>>) src(%dma_wait3A_20 : memref<40x128xi32, #tpu.memory_space<hbm>>) dst(%arg8 : memref<40x128xi32, #tpu.memory_space<vmem>>)
    %dma_wait3A_21 = arith.constant 0 : i32
    %dma_wait3A_22 = tpu.memref_slice %arg4[%mul3A_2, %dma_wait3A_21] : memref<2560x128xi32, #tpu.memory_space<hbm>> -> memref<40x128xi32, #tpu.memory_space<hbm>>
    %dma_wait3A_23 = arith.constant 0 : i32
    %dma_wait3A_24 = tpu.memref_slice %arg4[%mul3A_2, %dma_wait3A_23] : memref<2560x128xi32, #tpu.memory_space<hbm>> -> memref<40x128xi32, #tpu.memory_space<hbm>>
    tpu.wait_dma2 semaphore(%arg13 : memref<!tpu.dma_semaphore, #tpu.memory_space<semaphore_mem>>) src(%dma_wait3A_24 : memref<40x128xi32, #tpu.memory_space<hbm>>) dst(%arg9 : memref<40x128xi32, #tpu.memory_space<vmem>>)
    %barrier3A = arith.constant 0 : index
    tpu.barrier barrier_id(%barrier3A)
    %dma_start3A_25 = arith.constant 0 : i32
    %dma_start3A_26 = arith.constant 0 : i32
    %dma_start3A_27 = tpu.memref_slice %arg8[%dma_start3A_25, %dma_start3A_26] : memref<40x128xi32, #tpu.memory_space<vmem>> -> memref<1x128xi32, #tpu.memory_space<vmem>>
    %dma_start3A_28 = tpu.memref_squeeze %dma_start3A_27 : memref<1x128xi32, #tpu.memory_space<vmem>> -> memref<128xi32, #tpu.memory_space<vmem>>
    %dma_start3A_29 = arith.constant 0 : i32
    %dma_start3A_30 = arith.constant 0 : i32
    %dma_start3A_31 = tpu.memref_slice %arg2[%dma_start3A_29, %dma_start3A_30] : memref<10000x128xf32, #tpu.memory_space<hbm>> -> memref<10000x128xf32, #tpu.memory_space<hbm>>
    tpu.enqueue_indirect_dma source(%dma_start3A_31 : memref<10000x128xf32, #tpu.memory_space<hbm>>) target(%arg10 : memref<128x128xf32, #tpu.memory_space<vmem>>) offsets(%dma_start3A_28 : memref<128xi32, #tpu.memory_space<vmem>>) semaphore(%arg12 : memref<!tpu.dma_semaphore, #tpu.memory_space<semaphore_mem>>)
    %dma_start3A_32 = arith.constant 1 : i32
    %dma_start3A_33 = arith.constant 0 : i32
    %dma_start3A_34 = tpu.memref_slice %arg8[%dma_start3A_32, %dma_start3A_33] : memref<40x128xi32, #tpu.memory_space<vmem>> -> memref<1x128xi32, #tpu.memory_space<vmem>>
    %dma_start3A_35 = tpu.memref_squeeze %dma_start3A_34 : memref<1x128xi32, #tpu.memory_space<vmem>> -> memref<128xi32, #tpu.memory_space<vmem>>
    %dma_start3A_36 = arith.constant 0 : i32
    %dma_start3A_37 = arith.constant 0 : i32
    %dma_start3A_38 = tpu.memref_slice %arg2[%dma_start3A_36, %dma_start3A_37] : memref<10000x128xf32, #tpu.memory_space<hbm>> -> memref<10000x128xf32, #tpu.memory_space<hbm>>
    tpu.enqueue_indirect_dma source(%dma_start3A_38 : memref<10000x128xf32, #tpu.memory_space<hbm>>) target(%arg11 : memref<128x128xf32, #tpu.memory_space<vmem>>) offsets(%dma_start3A_35 : memref<128xi32, #tpu.memory_space<vmem>>) semaphore(%arg13 : memref<!tpu.dma_semaphore, #tpu.memory_space<semaphore_mem>>)
    %scan3A = arith.constant 0 : i32
    %scan3A_39 = arith.constant 20 : i32
    %scan3A_40 = arith.addi %scan3A, %scan3A_39 : i32
    %scan3A_41 = arith.constant 1 : i32
    scf.for %scan3A_71 = %scan3A to %scan3A_40 step %scan3A_41  : i32 {
      %mul3A_72 = arith.constant 1 : i32
      %mul3A_73 = arith.muli %scan3A_71, %mul3A_72 : i32
      %add3A_74 = arith.constant 0 : i32
      %add3A_75 = arith.addi %add3A_74, %mul3A_73 : i32
      %mul3A_76 = arith.constant 2 : i32
      %mul3A_77 = arith.muli %add3A_75, %mul3A_76 : i32
      %add3A_78 = arith.constant 0 : i32
      %add3A_79 = arith.addi %mul3A_77, %add3A_78 : i32
      %dma_wait3A_80 = arith.constant 0 : i32
      %dma_wait3A_81 = tpu.memref_slice %arg8[%add3A_79, %dma_wait3A_80] : memref<40x128xi32, #tpu.memory_space<vmem>> -> memref<1x128xi32, #tpu.memory_space<vmem>>
      %dma_wait3A_82 = tpu.memref_squeeze %dma_wait3A_81 : memref<1x128xi32, #tpu.memory_space<vmem>> -> memref<128xi32, #tpu.memory_space<vmem>>
      %dma_wait3A_83 = arith.constant 0 : i32
      %dma_wait3A_84 = arith.constant 0 : i32
      %dma_wait3A_85 = tpu.memref_slice %arg2[%dma_wait3A_83, %dma_wait3A_84] : memref<10000x128xf32, #tpu.memory_space<hbm>> -> memref<10000x128xf32, #tpu.memory_space<hbm>>
      tpu.wait_indirect_dma semaphore(%arg12 : memref<!tpu.dma_semaphore, #tpu.memory_space<semaphore_mem>>) src(%dma_wait3A_85 : memref<10000x128xf32, #tpu.memory_space<hbm>>) dst(%arg10 : memref<128x128xf32, #tpu.memory_space<vmem>>)
      "tpu.region"() ({
        %run_scoped3A = tpu.sem_alloc : memref<!tpu.dma_semaphore, #tpu.memory_space<semaphore_mem>>
        %dma_start3A_109 = arith.constant 0 : i32
        %dma_start3A_110 = tpu.memref_slice %arg9[%add3A_79, %dma_start3A_109] : memref<40x128xi32, #tpu.memory_space<vmem>> -> memref<1x128xi32, #tpu.memory_space<vmem>>
        %dma_start3A_111 = tpu.memref_squeeze %dma_start3A_110 : memref<1x128xi32, #tpu.memory_space<vmem>> -> memref<128xi32, #tpu.memory_space<vmem>>
        %dma_start3A_112 = arith.constant 0 : i32
        %dma_start3A_113 = arith.constant 0 : i32
        %dma_start3A_114 = tpu.memref_slice %arg7[%dma_start3A_112, %dma_start3A_113] : memref<10112x128xf32, #tpu.memory_space<vmem_shared>> -> memref<10112x128xf32, #tpu.memory_space<vmem_shared>>
        tpu.enqueue_indirect_dma source(%arg10 : memref<128x128xf32, #tpu.memory_space<vmem>>) target(%dma_start3A_114 : memref<10112x128xf32, #tpu.memory_space<vmem_shared>>) offsets(%dma_start3A_111 : memref<128xi32, #tpu.memory_space<vmem>>) semaphore(%run_scoped3A : memref<!tpu.dma_semaphore, #tpu.memory_space<semaphore_mem>>) {add = true}
        %dma_wait3A_115 = arith.constant 0 : i32
        %dma_wait3A_116 = tpu.memref_slice %arg9[%add3A_79, %dma_wait3A_115] : memref<40x128xi32, #tpu.memory_space<vmem>> -> memref<1x128xi32, #tpu.memory_space<vmem>>
        %dma_wait3A_117 = tpu.memref_squeeze %dma_wait3A_116 : memref<1x128xi32, #tpu.memory_space<vmem>> -> memref<128xi32, #tpu.memory_space<vmem>>
        %dma_wait3A_118 = arith.constant 0 : i32
        %dma_wait3A_119 = arith.constant 0 : i32
        %dma_wait3A_120 = tpu.memref_slice %arg7[%dma_wait3A_118, %dma_wait3A_119] : memref<10112x128xf32, #tpu.memory_space<vmem_shared>> -> memref<10112x128xf32, #tpu.memory_space<vmem_shared>>
        tpu.wait_indirect_dma semaphore(%run_scoped3A : memref<!tpu.dma_semaphore, #tpu.memory_space<semaphore_mem>>) src(%arg10 : memref<128x128xf32, #tpu.memory_space<vmem>>) dst(%dma_wait3A_120 : memref<10112x128xf32, #tpu.memory_space<vmem_shared>>)
        tpu.yield
      }) : () -> ()
      %add3A_86 = arith.constant 2 : i32
      %add3A_87 = arith.addi %mul3A_77, %add3A_86 : i32
      %add3A_88 = arith.constant 0 : i32
      %add3A_89 = arith.addi %add3A_87, %add3A_88 : i32
      %lt3A = arith.constant 40 : i32
      %lt3A_90 = arith.cmpi slt, %add3A_89, %lt3A : i32
      %convert_element_type3A = arith.extui %lt3A_90 : i1 to i32
      %cond3A = arith.constant 0 : i32
      %cond3A_91 = arith.cmpi ne, %convert_element_type3A, %cond3A : i32
      scf.if %cond3A_91 {
        %dma_start3A_109 = arith.constant 0 : i32
        %dma_start3A_110 = tpu.memref_slice %arg8[%add3A_89, %dma_start3A_109] : memref<40x128xi32, #tpu.memory_space<vmem>> -> memref<1x128xi32, #tpu.memory_space<vmem>>
        %dma_start3A_111 = tpu.memref_squeeze %dma_start3A_110 : memref<1x128xi32, #tpu.memory_space<vmem>> -> memref<128xi32, #tpu.memory_space<vmem>>
        %dma_start3A_112 = arith.constant 0 : i32
        %dma_start3A_113 = arith.constant 0 : i32
        %dma_start3A_114 = tpu.memref_slice %arg2[%dma_start3A_112, %dma_start3A_113] : memref<10000x128xf32, #tpu.memory_space<hbm>> -> memref<10000x128xf32, #tpu.memory_space<hbm>>
        tpu.enqueue_indirect_dma source(%dma_start3A_114 : memref<10000x128xf32, #tpu.memory_space<hbm>>) target(%arg10 : memref<128x128xf32, #tpu.memory_space<vmem>>) offsets(%dma_start3A_111 : memref<128xi32, #tpu.memory_space<vmem>>) semaphore(%arg12 : memref<!tpu.dma_semaphore, #tpu.memory_space<semaphore_mem>>)
      } else {
      }
      %add3A_92 = arith.constant 1 : i32
      %add3A_93 = arith.addi %mul3A_77, %add3A_92 : i32
      %dma_wait3A_94 = arith.constant 0 : i32
      %dma_wait3A_95 = tpu.memref_slice %arg8[%add3A_93, %dma_wait3A_94] : memref<40x128xi32, #tpu.memory_space<vmem>> -> memref<1x128xi32, #tpu.memory_space<vmem>>
      %dma_wait3A_96 = tpu.memref_squeeze %dma_wait3A_95 : memref<1x128xi32, #tpu.memory_space<vmem>> -> memref<128xi32, #tpu.memory_space<vmem>>
      %dma_wait3A_97 = arith.constant 0 : i32
      %dma_wait3A_98 = arith.constant 0 : i32
      %dma_wait3A_99 = tpu.memref_slice %arg2[%dma_wait3A_97, %dma_wait3A_98] : memref<10000x128xf32, #tpu.memory_space<hbm>> -> memref<10000x128xf32, #tpu.memory_space<hbm>>
      tpu.wait_indirect_dma semaphore(%arg13 : memref<!tpu.dma_semaphore, #tpu.memory_space<semaphore_mem>>) src(%dma_wait3A_99 : memref<10000x128xf32, #tpu.memory_space<hbm>>) dst(%arg11 : memref<128x128xf32, #tpu.memory_space<vmem>>)
      "tpu.region"() ({
        %run_scoped3A = tpu.sem_alloc : memref<!tpu.dma_semaphore, #tpu.memory_space<semaphore_mem>>
        %dma_start3A_109 = arith.constant 0 : i32
        %dma_start3A_110 = tpu.memref_slice %arg9[%add3A_93, %dma_start3A_109] : memref<40x128xi32, #tpu.memory_space<vmem>> -> memref<1x128xi32, #tpu.memory_space<vmem>>
        %dma_start3A_111 = tpu.memref_squeeze %dma_start3A_110 : memref<1x128xi32, #tpu.memory_space<vmem>> -> memref<128xi32, #tpu.memory_space<vmem>>
        %dma_start3A_112 = arith.constant 0 : i32
        %dma_start3A_113 = arith.constant 0 : i32
        %dma_start3A_114 = tpu.memref_slice %arg7[%dma_start3A_112, %dma_start3A_113] : memref<10112x128xf32, #tpu.memory_space<vmem_shared>> -> memref<10112x128xf32, #tpu.memory_space<vmem_shared>>
        tpu.enqueue_indirect_dma source(%arg11 : memref<128x128xf32, #tpu.memory_space<vmem>>) target(%dma_start3A_114 : memref<10112x128xf32, #tpu.memory_space<vmem_shared>>) offsets(%dma_start3A_111 : memref<128xi32, #tpu.memory_space<vmem>>) semaphore(%run_scoped3A : memref<!tpu.dma_semaphore, #tpu.memory_space<semaphore_mem>>) {add = true}
        %dma_wait3A_115 = arith.constant 0 : i32
        %dma_wait3A_116 = tpu.memref_slice %arg9[%add3A_93, %dma_wait3A_115] : memref<40x128xi32, #tpu.memory_space<vmem>> -> memref<1x128xi32, #tpu.memory_space<vmem>>
        %dma_wait3A_117 = tpu.memref_squeeze %dma_wait3A_116 : memref<1x128xi32, #tpu.memory_space<vmem>> -> memref<128xi32, #tpu.memory_space<vmem>>
        %dma_wait3A_118 = arith.constant 0 : i32
        %dma_wait3A_119 = arith.constant 0 : i32
        %dma_wait3A_120 = tpu.memref_slice %arg7[%dma_wait3A_118, %dma_wait3A_119] : memref<10112x128xf32, #tpu.memory_space<vmem_shared>> -> memref<10112x128xf32, #tpu.memory_space<vmem_shared>>
        tpu.wait_indirect_dma semaphore(%run_scoped3A : memref<!tpu.dma_semaphore, #tpu.memory_space<semaphore_mem>>) src(%arg11 : memref<128x128xf32, #tpu.memory_space<vmem>>) dst(%dma_wait3A_120 : memref<10112x128xf32, #tpu.memory_space<vmem_shared>>)
        tpu.yield
      }) : () -> ()
      %add3A_100 = arith.constant 2 : i32
      %add3A_101 = arith.addi %mul3A_77, %add3A_100 : i32
      %add3A_102 = arith.constant 1 : i32
      %add3A_103 = arith.addi %add3A_101, %add3A_102 : i32
      %lt3A_104 = arith.constant 40 : i32
      %lt3A_105 = arith.cmpi slt, %add3A_103, %lt3A_104 : i32
      %convert_element_type3A_106 = arith.extui %lt3A_105 : i1 to i32
      %cond3A_107 = arith.constant 0 : i32
      %cond3A_108 = arith.cmpi ne, %convert_element_type3A_106, %cond3A_107 : i32
      scf.if %cond3A_108 {
        %dma_start3A_109 = arith.constant 0 : i32
        %dma_start3A_110 = tpu.memref_slice %arg8[%add3A_103, %dma_start3A_109] : memref<40x128xi32, #tpu.memory_space<vmem>> -> memref<1x128xi32, #tpu.memory_space<vmem>>
        %dma_start3A_111 = tpu.memref_squeeze %dma_start3A_110 : memref<1x128xi32, #tpu.memory_space<vmem>> -> memref<128xi32, #tpu.memory_space<vmem>>
        %dma_start3A_112 = arith.constant 0 : i32
        %dma_start3A_113 = arith.constant 0 : i32
        %dma_start3A_114 = tpu.memref_slice %arg2[%dma_start3A_112, %dma_start3A_113] : memref<10000x128xf32, #tpu.memory_space<hbm>> -> memref<10000x128xf32, #tpu.memory_space<hbm>>
        tpu.enqueue_indirect_dma source(%dma_start3A_114 : memref<10000x128xf32, #tpu.memory_space<hbm>>) target(%arg11 : memref<128x128xf32, #tpu.memory_space<vmem>>) offsets(%dma_start3A_111 : memref<128xi32, #tpu.memory_space<vmem>>) semaphore(%arg13 : memref<!tpu.dma_semaphore, #tpu.memory_space<semaphore_mem>>)
      } else {
      }
    }
    %scan3A_42 = arith.constant 20 : i32
    %add3A_43 = arith.constant 40 : i32
    %add3A_44 = arith.addi %mul3A_2, %add3A_43 : i32
    "tpu.region"() ({
      %run_scoped3A = tpu.sem_alloc : memref<!tpu.dma_semaphore, #tpu.memory_space<semaphore_mem>>
      %dma_start3A_71 = arith.constant 0 : i32
      %dma_start3A_72 = tpu.memref_slice %arg3[%add3A_44, %dma_start3A_71] : memref<2560x128xi32, #tpu.memory_space<hbm>> -> memref<40x128xi32, #tpu.memory_space<hbm>>
      %dma_start3A_73 = arith.constant 0 : i32
      %dma_start3A_74 = tpu.memref_slice %arg3[%add3A_44, %dma_start3A_73] : memref<2560x128xi32, #tpu.memory_space<hbm>> -> memref<40x128xi32, #tpu.memory_space<hbm>>
      tpu.enqueue_dma source(%dma_start3A_74 : memref<40x128xi32, #tpu.memory_space<hbm>>) target(%arg8 : memref<40x128xi32, #tpu.memory_space<vmem>>) target_semaphore(%run_scoped3A : memref<!tpu.dma_semaphore, #tpu.memory_space<semaphore_mem>>)
      %dma_wait3A_75 = arith.constant 0 : i32
      %dma_wait3A_76 = tpu.memref_slice %arg3[%add3A_44, %dma_wait3A_75] : memref<2560x128xi32, #tpu.memory_space<hbm>> -> memref<40x128xi32, #tpu.memory_space<hbm>>
      %dma_wait3A_77 = arith.constant 0 : i32
      %dma_wait3A_78 = tpu.memref_slice %arg3[%add3A_44, %dma_wait3A_77] : memref<2560x128xi32, #tpu.memory_space<hbm>> -> memref<40x128xi32, #tpu.memory_space<hbm>>
      tpu.wait_dma2 semaphore(%run_scoped3A : memref<!tpu.dma_semaphore, #tpu.memory_space<semaphore_mem>>) src(%dma_wait3A_78 : memref<40x128xi32, #tpu.memory_space<hbm>>) dst(%arg8 : memref<40x128xi32, #tpu.memory_space<vmem>>)
      tpu.yield
    }) : () -> ()
    %add3A_45 = arith.constant 40 : i32
    %add3A_46 = arith.addi %mul3A_2, %add3A_45 : i32
    "tpu.region"() ({
      %run_scoped3A = tpu.sem_alloc : memref<!tpu.dma_semaphore, #tpu.memory_space<semaphore_mem>>
      %dma_start3A_71 = arith.constant 0 : i32
      %dma_start3A_72 = tpu.memref_slice %arg4[%add3A_46, %dma_start3A_71] : memref<2560x128xi32, #tpu.memory_space<hbm>> -> memref<40x128xi32, #tpu.memory_space<hbm>>
      %dma_start3A_73 = arith.constant 0 : i32
      %dma_start3A_74 = tpu.memref_slice %arg4[%add3A_46, %dma_start3A_73] : memref<2560x128xi32, #tpu.memory_space<hbm>> -> memref<40x128xi32, #tpu.memory_space<hbm>>
      tpu.enqueue_dma source(%dma_start3A_74 : memref<40x128xi32, #tpu.memory_space<hbm>>) target(%arg9 : memref<40x128xi32, #tpu.memory_space<vmem>>) target_semaphore(%run_scoped3A : memref<!tpu.dma_semaphore, #tpu.memory_space<semaphore_mem>>)
      %dma_wait3A_75 = arith.constant 0 : i32
      %dma_wait3A_76 = tpu.memref_slice %arg4[%add3A_46, %dma_wait3A_75] : memref<2560x128xi32, #tpu.memory_space<hbm>> -> memref<40x128xi32, #tpu.memory_space<hbm>>
      %dma_wait3A_77 = arith.constant 0 : i32
      %dma_wait3A_78 = tpu.memref_slice %arg4[%add3A_46, %dma_wait3A_77] : memref<2560x128xi32, #tpu.memory_space<hbm>> -> memref<40x128xi32, #tpu.memory_space<hbm>>
      tpu.wait_dma2 semaphore(%run_scoped3A : memref<!tpu.dma_semaphore, #tpu.memory_space<semaphore_mem>>) src(%dma_wait3A_78 : memref<40x128xi32, #tpu.memory_space<hbm>>) dst(%arg9 : memref<40x128xi32, #tpu.memory_space<vmem>>)
      tpu.yield
    }) : () -> ()
    %dma_start3A_47 = arith.constant 0 : i32
    %dma_start3A_48 = arith.constant 0 : i32
    %dma_start3A_49 = tpu.memref_slice %arg8[%dma_start3A_47, %dma_start3A_48] : memref<40x128xi32, #tpu.memory_space<vmem>> -> memref<1x128xi32, #tpu.memory_space<vmem>>
    %dma_start3A_50 = tpu.memref_squeeze %dma_start3A_49 : memref<1x128xi32, #tpu.memory_space<vmem>> -> memref<128xi32, #tpu.memory_space<vmem>>
    %dma_start3A_51 = arith.constant 0 : i32
    %dma_start3A_52 = arith.constant 0 : i32
    %dma_start3A_53 = tpu.memref_slice %arg2[%dma_start3A_51, %dma_start3A_52] : memref<10000x128xf32, #tpu.memory_space<hbm>> -> memref<10000x128xf32, #tpu.memory_space<hbm>>
    tpu.enqueue_indirect_dma source(%dma_start3A_53 : memref<10000x128xf32, #tpu.memory_space<hbm>>) target(%arg10 : memref<128x128xf32, #tpu.memory_space<vmem>>) offsets(%dma_start3A_50 : memref<128xi32, #tpu.memory_space<vmem>>) semaphore(%arg12 : memref<!tpu.dma_semaphore, #tpu.memory_space<semaphore_mem>>)
    %dma_start3A_54 = arith.constant 1 : i32
    %dma_start3A_55 = arith.constant 0 : i32
    %dma_start3A_56 = tpu.memref_slice %arg8[%dma_start3A_54, %dma_start3A_55] : memref<40x128xi32, #tpu.memory_space<vmem>> -> memref<1x128xi32, #tpu.memory_space<vmem>>
    %dma_start3A_57 = tpu.memref_squeeze %dma_start3A_56 : memref<1x128xi32, #tpu.memory_space<vmem>> -> memref<128xi32, #tpu.memory_space<vmem>>
    %dma_start3A_58 = arith.constant 0 : i32
    %dma_start3A_59 = arith.constant 0 : i32
    %dma_start3A_60 = tpu.memref_slice %arg2[%dma_start3A_58, %dma_start3A_59] : memref<10000x128xf32, #tpu.memory_space<hbm>> -> memref<10000x128xf32, #tpu.memory_space<hbm>>
    tpu.enqueue_indirect_dma source(%dma_start3A_60 : memref<10000x128xf32, #tpu.memory_space<hbm>>) target(%arg11 : memref<128x128xf32, #tpu.memory_space<vmem>>) offsets(%dma_start3A_57 : memref<128xi32, #tpu.memory_space<vmem>>) semaphore(%arg13 : memref<!tpu.dma_semaphore, #tpu.memory_space<semaphore_mem>>)
    %scan3A_61 = arith.constant 0 : i32
    %scan3A_62 = arith.constant 20 : i32
    %scan3A_63 = arith.addi %scan3A_61, %scan3A_62 : i32
    %scan3A_64 = arith.constant 1 : i32
    scf.for %scan3A_71 = %scan3A_61 to %scan3A_63 step %scan3A_64  : i32 {
      %mul3A_72 = arith.constant 1 : i32
      %mul3A_73 = arith.muli %scan3A_71, %mul3A_72 : i32
      %add3A_74 = arith.constant 0 : i32
      %add3A_75 = arith.addi %add3A_74, %mul3A_73 : i32
      %mul3A_76 = arith.constant 2 : i32
      %mul3A_77 = arith.muli %add3A_75, %mul3A_76 : i32
      %add3A_78 = arith.constant 0 : i32
      %add3A_79 = arith.addi %mul3A_77, %add3A_78 : i32
      %dma_wait3A_80 = arith.constant 0 : i32
      %dma_wait3A_81 = tpu.memref_slice %arg8[%add3A_79, %dma_wait3A_80] : memref<40x128xi32, #tpu.memory_space<vmem>> -> memref<1x128xi32, #tpu.memory_space<vmem>>
      %dma_wait3A_82 = tpu.memref_squeeze %dma_wait3A_81 : memref<1x128xi32, #tpu.memory_space<vmem>> -> memref<128xi32, #tpu.memory_space<vmem>>
      %dma_wait3A_83 = arith.constant 0 : i32
      %dma_wait3A_84 = arith.constant 0 : i32
      %dma_wait3A_85 = tpu.memref_slice %arg2[%dma_wait3A_83, %dma_wait3A_84] : memref<10000x128xf32, #tpu.memory_space<hbm>> -> memref<10000x128xf32, #tpu.memory_space<hbm>>
      tpu.wait_indirect_dma semaphore(%arg12 : memref<!tpu.dma_semaphore, #tpu.memory_space<semaphore_mem>>) src(%dma_wait3A_85 : memref<10000x128xf32, #tpu.memory_space<hbm>>) dst(%arg10 : memref<128x128xf32, #tpu.memory_space<vmem>>)
      "tpu.region"() ({
        %run_scoped3A = tpu.sem_alloc : memref<!tpu.dma_semaphore, #tpu.memory_space<semaphore_mem>>
        %dma_start3A_109 = arith.constant 0 : i32
        %dma_start3A_110 = tpu.memref_slice %arg9[%add3A_79, %dma_start3A_109] : memref<40x128xi32, #tpu.memory_space<vmem>> -> memref<1x128xi32, #tpu.memory_space<vmem>>
        %dma_start3A_111 = tpu.memref_squeeze %dma_start3A_110 : memref<1x128xi32, #tpu.memory_space<vmem>> -> memref<128xi32, #tpu.memory_space<vmem>>
        %dma_start3A_112 = arith.constant 0 : i32
        %dma_start3A_113 = arith.constant 0 : i32
        %dma_start3A_114 = tpu.memref_slice %arg7[%dma_start3A_112, %dma_start3A_113] : memref<10112x128xf32, #tpu.memory_space<vmem_shared>> -> memref<10112x128xf32, #tpu.memory_space<vmem_shared>>
        tpu.enqueue_indirect_dma source(%arg10 : memref<128x128xf32, #tpu.memory_space<vmem>>) target(%dma_start3A_114 : memref<10112x128xf32, #tpu.memory_space<vmem_shared>>) offsets(%dma_start3A_111 : memref<128xi32, #tpu.memory_space<vmem>>) semaphore(%run_scoped3A : memref<!tpu.dma_semaphore, #tpu.memory_space<semaphore_mem>>) {add = true}
        %dma_wait3A_115 = arith.constant 0 : i32
        %dma_wait3A_116 = tpu.memref_slice %arg9[%add3A_79, %dma_wait3A_115] : memref<40x128xi32, #tpu.memory_space<vmem>> -> memref<1x128xi32, #tpu.memory_space<vmem>>
        %dma_wait3A_117 = tpu.memref_squeeze %dma_wait3A_116 : memref<1x128xi32, #tpu.memory_space<vmem>> -> memref<128xi32, #tpu.memory_space<vmem>>
        %dma_wait3A_118 = arith.constant 0 : i32
        %dma_wait3A_119 = arith.constant 0 : i32
        %dma_wait3A_120 = tpu.memref_slice %arg7[%dma_wait3A_118, %dma_wait3A_119] : memref<10112x128xf32, #tpu.memory_space<vmem_shared>> -> memref<10112x128xf32, #tpu.memory_space<vmem_shared>>
        tpu.wait_indirect_dma semaphore(%run_scoped3A : memref<!tpu.dma_semaphore, #tpu.memory_space<semaphore_mem>>) src(%arg10 : memref<128x128xf32, #tpu.memory_space<vmem>>) dst(%dma_wait3A_120 : memref<10112x128xf32, #tpu.memory_space<vmem_shared>>)
        tpu.yield
      }) : () -> ()
      %add3A_86 = arith.constant 2 : i32
      %add3A_87 = arith.addi %mul3A_77, %add3A_86 : i32
      %add3A_88 = arith.constant 0 : i32
      %add3A_89 = arith.addi %add3A_87, %add3A_88 : i32
      %lt3A = arith.constant 40 : i32
      %lt3A_90 = arith.cmpi slt, %add3A_89, %lt3A : i32
      %convert_element_type3A = arith.extui %lt3A_90 : i1 to i32
      %cond3A = arith.constant 0 : i32
      %cond3A_91 = arith.cmpi ne, %convert_element_type3A, %cond3A : i32
      scf.if %cond3A_91 {
        %dma_start3A_109 = arith.constant 0 : i32
        %dma_start3A_110 = tpu.memref_slice %arg8[%add3A_89, %dma_start3A_109] : memref<40x128xi32, #tpu.memory_space<vmem>> -> memref<1x128xi32, #tpu.memory_space<vmem>>
        %dma_start3A_111 = tpu.memref_squeeze %dma_start3A_110 : memref<1x128xi32, #tpu.memory_space<vmem>> -> memref<128xi32, #tpu.memory_space<vmem>>
        %dma_start3A_112 = arith.constant 0 : i32
        %dma_start3A_113 = arith.constant 0 : i32
        %dma_start3A_114 = tpu.memref_slice %arg2[%dma_start3A_112, %dma_start3A_113] : memref<10000x128xf32, #tpu.memory_space<hbm>> -> memref<10000x128xf32, #tpu.memory_space<hbm>>
        tpu.enqueue_indirect_dma source(%dma_start3A_114 : memref<10000x128xf32, #tpu.memory_space<hbm>>) target(%arg10 : memref<128x128xf32, #tpu.memory_space<vmem>>) offsets(%dma_start3A_111 : memref<128xi32, #tpu.memory_space<vmem>>) semaphore(%arg12 : memref<!tpu.dma_semaphore, #tpu.memory_space<semaphore_mem>>)
      } else {
      }
      %add3A_92 = arith.constant 1 : i32
      %add3A_93 = arith.addi %mul3A_77, %add3A_92 : i32
      %dma_wait3A_94 = arith.constant 0 : i32
      %dma_wait3A_95 = tpu.memref_slice %arg8[%add3A_93, %dma_wait3A_94] : memref<40x128xi32, #tpu.memory_space<vmem>> -> memref<1x128xi32, #tpu.memory_space<vmem>>
      %dma_wait3A_96 = tpu.memref_squeeze %dma_wait3A_95 : memref<1x128xi32, #tpu.memory_space<vmem>> -> memref<128xi32, #tpu.memory_space<vmem>>
      %dma_wait3A_97 = arith.constant 0 : i32
      %dma_wait3A_98 = arith.constant 0 : i32
      %dma_wait3A_99 = tpu.memref_slice %arg2[%dma_wait3A_97, %dma_wait3A_98] : memref<10000x128xf32, #tpu.memory_space<hbm>> -> memref<10000x128xf32, #tpu.memory_space<hbm>>
      tpu.wait_indirect_dma semaphore(%arg13 : memref<!tpu.dma_semaphore, #tpu.memory_space<semaphore_mem>>) src(%dma_wait3A_99 : memref<10000x128xf32, #tpu.memory_space<hbm>>) dst(%arg11 : memref<128x128xf32, #tpu.memory_space<vmem>>)
      "tpu.region"() ({
        %run_scoped3A = tpu.sem_alloc : memref<!tpu.dma_semaphore, #tpu.memory_space<semaphore_mem>>
        %dma_start3A_109 = arith.constant 0 : i32
        %dma_start3A_110 = tpu.memref_slice %arg9[%add3A_93, %dma_start3A_109] : memref<40x128xi32, #tpu.memory_space<vmem>> -> memref<1x128xi32, #tpu.memory_space<vmem>>
        %dma_start3A_111 = tpu.memref_squeeze %dma_start3A_110 : memref<1x128xi32, #tpu.memory_space<vmem>> -> memref<128xi32, #tpu.memory_space<vmem>>
        %dma_start3A_112 = arith.constant 0 : i32
        %dma_start3A_113 = arith.constant 0 : i32
        %dma_start3A_114 = tpu.memref_slice %arg7[%dma_start3A_112, %dma_start3A_113] : memref<10112x128xf32, #tpu.memory_space<vmem_shared>> -> memref<10112x128xf32, #tpu.memory_space<vmem_shared>>
        tpu.enqueue_indirect_dma source(%arg11 : memref<128x128xf32, #tpu.memory_space<vmem>>) target(%dma_start3A_114 : memref<10112x128xf32, #tpu.memory_space<vmem_shared>>) offsets(%dma_start3A_111 : memref<128xi32, #tpu.memory_space<vmem>>) semaphore(%run_scoped3A : memref<!tpu.dma_semaphore, #tpu.memory_space<semaphore_mem>>) {add = true}
        %dma_wait3A_115 = arith.constant 0 : i32
        %dma_wait3A_116 = tpu.memref_slice %arg9[%add3A_93, %dma_wait3A_115] : memref<40x128xi32, #tpu.memory_space<vmem>> -> memref<1x128xi32, #tpu.memory_space<vmem>>
        %dma_wait3A_117 = tpu.memref_squeeze %dma_wait3A_116 : memref<1x128xi32, #tpu.memory_space<vmem>> -> memref<128xi32, #tpu.memory_space<vmem>>
        %dma_wait3A_118 = arith.constant 0 : i32
        %dma_wait3A_119 = arith.constant 0 : i32
        %dma_wait3A_120 = tpu.memref_slice %arg7[%dma_wait3A_118, %dma_wait3A_119] : memref<10112x128xf32, #tpu.memory_space<vmem_shared>> -> memref<10112x128xf32, #tpu.memory_space<vmem_shared>>
        tpu.wait_indirect_dma semaphore(%run_scoped3A : memref<!tpu.dma_semaphore, #tpu.memory_space<semaphore_mem>>) src(%arg11 : memref<128x128xf32, #tpu.memory_space<vmem>>) dst(%dma_wait3A_120 : memref<10112x128xf32, #tpu.memory_space<vmem_shared>>)
        tpu.yield
      }) : () -> ()
      %add3A_100 = arith.constant 2 : i32
      %add3A_101 = arith.addi %mul3A_77, %add3A_100 : i32
      %add3A_102 = arith.constant 1 : i32
      %add3A_103 = arith.addi %add3A_101, %add3A_102 : i32
      %lt3A_104 = arith.constant 40 : i32
      %lt3A_105 = arith.cmpi slt, %add3A_103, %lt3A_104 : i32
      %convert_element_type3A_106 = arith.extui %lt3A_105 : i1 to i32
      %cond3A_107 = arith.constant 0 : i32
      %cond3A_108 = arith.cmpi ne, %convert_element_type3A_106, %cond3A_107 : i32
      scf.if %cond3A_108 {
        %dma_start3A_109 = arith.constant 0 : i32
        %dma_start3A_110 = tpu.memref_slice %arg8[%add3A_103, %dma_start3A_109] : memref<40x128xi32, #tpu.memory_space<vmem>> -> memref<1x128xi32, #tpu.memory_space<vmem>>
        %dma_start3A_111 = tpu.memref_squeeze %dma_start3A_110 : memref<1x128xi32, #tpu.memory_space<vmem>> -> memref<128xi32, #tpu.memory_space<vmem>>
        %dma_start3A_112 = arith.constant 0 : i32
        %dma_start3A_113 = arith.constant 0 : i32
        %dma_start3A_114 = tpu.memref_slice %arg2[%dma_start3A_112, %dma_start3A_113] : memref<10000x128xf32, #tpu.memory_space<hbm>> -> memref<10000x128xf32, #tpu.memory_space<hbm>>
        tpu.enqueue_indirect_dma source(%dma_start3A_114 : memref<10000x128xf32, #tpu.memory_space<hbm>>) target(%arg11 : memref<128x128xf32, #tpu.memory_space<vmem>>) offsets(%dma_start3A_111 : memref<128xi32, #tpu.memory_space<vmem>>) semaphore(%arg13 : memref<!tpu.dma_semaphore, #tpu.memory_space<semaphore_mem>>)
      } else {
      }
    }
    %scan3A_65 = arith.constant 20 : i32
    %barrier3A_66 = arith.constant 0 : index
    tpu.barrier barrier_id(%barrier3A_66)
    %mul3A_67 = arith.constant 632 : i32
    %mul3A_68 = arith.muli %arg1, %mul3A_67 : i32
    %mul3A_69 = arith.constant 632 : i32
    %mul3A_70 = arith.muli %arg1, %mul3A_69 : i32
    "tpu.region"() ({
      %run_scoped3A = tpu.sem_alloc : memref<!tpu.dma_semaphore, #tpu.memory_space<semaphore_mem>>
      %dma_start3A_71 = arith.constant 0 : i32
      %dma_start3A_72 = tpu.memref_slice %arg6[%arg0, %mul3A_70, %dma_start3A_71] : memref<2x10112x128xf32, #tpu.memory_space<hbm>> -> memref<1x632x128xf32, #tpu.memory_space<hbm>>
      %dma_start3A_73 = tpu.memref_squeeze %dma_start3A_72 : memref<1x632x128xf32, #tpu.memory_space<hbm>> -> memref<632x128xf32, #tpu.memory_space<hbm>>
      %dma_start3A_74 = arith.constant 0 : i32
      %dma_start3A_75 = tpu.memref_slice %arg7[%mul3A_68, %dma_start3A_74] : memref<10112x128xf32, #tpu.memory_space<vmem_shared>> -> memref<632x128xf32, #tpu.memory_space<vmem_shared>>
      tpu.enqueue_dma source(%dma_start3A_75 : memref<632x128xf32, #tpu.memory_space<vmem_shared>>) target(%dma_start3A_73 : memref<632x128xf32, #tpu.memory_space<hbm>>) target_semaphore(%run_scoped3A : memref<!tpu.dma_semaphore, #tpu.memory_space<semaphore_mem>>)
      %dma_wait3A_76 = arith.constant 0 : i32
      %dma_wait3A_77 = tpu.memref_slice %arg6[%arg0, %mul3A_70, %dma_wait3A_76] : memref<2x10112x128xf32, #tpu.memory_space<hbm>> -> memref<1x632x128xf32, #tpu.memory_space<hbm>>
      %dma_wait3A_78 = tpu.memref_squeeze %dma_wait3A_77 : memref<1x632x128xf32, #tpu.memory_space<hbm>> -> memref<632x128xf32, #tpu.memory_space<hbm>>
      %dma_wait3A_79 = arith.constant 0 : i32
      %dma_wait3A_80 = tpu.memref_slice %arg7[%mul3A_68, %dma_wait3A_79] : memref<10112x128xf32, #tpu.memory_space<vmem_shared>> -> memref<632x128xf32, #tpu.memory_space<vmem_shared>>
      tpu.wait_dma2 semaphore(%run_scoped3A : memref<!tpu.dma_semaphore, #tpu.memory_space<semaphore_mem>>) src(%dma_wait3A_80 : memref<632x128xf32, #tpu.memory_space<vmem_shared>>) dst(%dma_wait3A_78 : memref<632x128xf32, #tpu.memory_space<hbm>>)
      tpu.yield
    }) : () -> ()
    return
  }
}

module attributes {stable_mosaic.version = 14 : i64} {
  func.func @body(%arg0: i32, %arg1: memref<1x256x128xi32, #tpu.memory_space<vmem>>, %arg2: memref<1x256x128xi32, #tpu.memory_space<vmem>>, %arg3: memref<1000x128xf32, #tpu.memory_space<vmem>>, %arg4: memref<128x128xf32, #tpu.memory_space<vmem>>, %arg5: memref<1000x128xf32, #tpu.memory_space<vmem>>, %arg6: memref<256x128xi32, #tpu.memory_space<vmem>>, %arg7: memref<256x128xi32, #tpu.memory_space<vmem>>) attributes {dimension_semantics = [#tpu.dimension_semantics<arbitrary>], iteration_bounds = array<i64: 10>, scalar_prefetch = 0 : i64, scratch_operands = 0 : i64, tpu.core_type = #tpu.core_type<tc>, window_params = [{transform_indices = @transform_0, window_bounds = array<i64: 1, 256, 128>}, {transform_indices = @transform_1, window_bounds = array<i64: 1, 256, 128>}, {transform_indices = @transform_2, window_bounds = array<i64: 1000, 128>}, {pipeline_mode = #tpu.pipeline_mode<synchronous>, transform_indices = @transform_3, window_bounds = array<i64: 128, 128>}, {transform_indices = @transform_4, window_bounds = array<i64: 1000, 128>}, {transform_indices = @transform_5, window_bounds = array<i64: 256, 128>}, {transform_indices = @transform_6, window_bounds = array<i64: 256, 128>}]} {
    %get3A = arith.constant 0 : index
    %get3A_0 = arith.constant 0 : index
    %get3A_1 = vector.load %arg3[%get3A, %get3A_0] : memref<1000x128xf32, #tpu.memory_space<vmem>>, vector<1000x128xf32>
    %get3A_2 = arith.constant 0 : index
    %get3A_3 = arith.constant 0 : index
    %get3A_4 = vector.load %arg4[%get3A_2, %get3A_3] : memref<128x128xf32, #tpu.memory_space<vmem>>, vector<128x128xf32>
    %dot_general3A = arith.constant dense<0.000000e+00> : vector<1000x128xf32>
    %dot_general3A_5 = tpu.matmul %get3A_1, %get3A_4, %dot_general3A {dimension_numbers = #tpu.dot_dimension_numbers<[1], [0], [0], [1], [0, 0, 1, 1], [], []>, transpose_lhs_hint = false} : vector<1000x128xf32>, vector<128x128xf32>, vector<1000x128xf32> -> vector<1000x128xf32>
    %swap3A = arith.constant 0 : index
    %swap3A_6 = arith.constant 0 : index
    %swap3A_7 = vector.load %arg5[%swap3A, %swap3A_6] : memref<1000x128xf32, #tpu.memory_space<vmem>>, vector<1000x128xf32>
    tpu.vector_store %arg5[%swap3A, %swap3A_6], %dot_general3A_5 {strides = array<i32>} : memref<1000x128xf32, #tpu.memory_space<vmem>>, vector<1000x128xf32>,
    %iota3A = tpu.iota {dimensions = array<i32: 0>} : vector<256x128xi32>
    %mul3A = arith.constant 256 : i32
    %mul3A_8 = arith.muli %arg0, %mul3A : i32
    %add3A = vector.broadcast %mul3A_8 : i32 to vector<256x128xi32>
    %add3A_9 = arith.addi %iota3A, %add3A : vector<256x128xi32>
    %iota3A_10 = tpu.iota {dimensions = array<i32: 1>} : vector<256x128xi32>
    %mul3A_11 = arith.constant 128 : i32
    %mul3A_12 = vector.broadcast %mul3A_11 : i32 to vector<256x128xi32>
    %mul3A_13 = arith.muli %add3A_9, %mul3A_12 : vector<256x128xi32>
    %add3A_14 = arith.addi %mul3A_13, %iota3A_10 : vector<256x128xi32>
    %ge3A = arith.constant 2500 : i32
    %ge3A_15 = vector.broadcast %ge3A : i32 to vector<256x128xi32>
    %ge3A_16 = arith.cmpi sge, %add3A_9, %ge3A_15 : vector<256x128xi32>
    %jit3A = arith.constant 10000 : i32
    %eq3A = arith.constant 0 : i32
    %eq3A_17 = arith.cmpi eq, %jit3A, %eq3A : i32
    %jit3A_18 = arith.constant 1 : i32
    %select_n3A = arith.select %eq3A_17, %jit3A_18, %jit3A : i32
    %rem3A = vector.broadcast %select_n3A : i32 to vector<256x128xi32>
    %rem3A_19 = arith.remsi %add3A_14, %rem3A : vector<256x128xi32>
    %ne3A = arith.constant 0 : i32
    %ne3A_20 = vector.broadcast %ne3A : i32 to vector<256x128xi32>
    %ne3A_21 = arith.cmpi ne, %rem3A_19, %ne3A_20 : vector<256x128xi32>
    %lt3A = arith.constant 0 : i32
    %lt3A_22 = vector.broadcast %lt3A : i32 to vector<256x128xi32>
    %lt3A_23 = arith.cmpi slt, %rem3A_19, %lt3A_22 : vector<256x128xi32>
    %lt3A_24 = arith.constant 0 : i32
    %lt3A_25 = arith.cmpi slt, %select_n3A, %lt3A_24 : i32
    %ne3A_26 = vector.broadcast %lt3A_25 : i1 to vector<256x128xi1>
    %ne3A_27 = vector.broadcast %ne3A_26 : vector<256x128xi1> to vector<256x128xi1>
    %ne3A_28 = arith.xori %lt3A_23, %ne3A_27 : vector<256x128xi1>
    %and3A = arith.andi %ne3A_28, %ne3A_21 : vector<256x128xi1>
    %add3A_29 = vector.broadcast %select_n3A : i32 to vector<256x128xi32>
    %add3A_30 = arith.addi %rem3A_19, %add3A_29 : vector<256x128xi32>
    %select_n3A_31 = arith.select %and3A, %add3A_30, %rem3A_19 : vector<256x128xi1>, vector<256x128xi32>
    %get3A_32 = arith.constant 0 : index
    %get3A_33 = arith.constant 0 : index
    %get3A_34 = arith.constant 0 : index
    %get3A_35 = vector.load %arg1[%get3A_32, %get3A_33, %get3A_34] : memref<1x256x128xi32, #tpu.memory_space<vmem>>, vector<1x256x128xi32>
    %get3A_36 = vector.shape_cast %get3A_35 : vector<1x256x128xi32> to vector<256x128xi32>
    %select_n3A_37 = arith.select %ge3A_16, %select_n3A_31, %get3A_36 : vector<256x128xi1>, vector<256x128xi32>
    %swap3A_38 = arith.constant 0 : index
    %swap3A_39 = arith.constant 0 : index
    %swap3A_40 = vector.load %arg6[%swap3A_38, %swap3A_39] : memref<256x128xi32, #tpu.memory_space<vmem>>, vector<256x128xi32>
    tpu.vector_store %arg6[%swap3A_38, %swap3A_39], %select_n3A_37 {strides = array<i32>} : memref<256x128xi32, #tpu.memory_space<vmem>>, vector<256x128xi32>,
    %jit3A_41 = arith.constant 112 : i32
    %eq3A_42 = arith.constant 0 : i32
    %eq3A_43 = arith.cmpi eq, %jit3A_41, %eq3A_42 : i32
    %jit3A_44 = arith.constant 1 : i32
    %select_n3A_45 = arith.select %eq3A_43, %jit3A_44, %jit3A_41 : i32
    %rem3A_46 = vector.broadcast %select_n3A_45 : i32 to vector<256x128xi32>
    %rem3A_47 = arith.remsi %add3A_14, %rem3A_46 : vector<256x128xi32>
    %ne3A_48 = arith.constant 0 : i32
    %ne3A_49 = vector.broadcast %ne3A_48 : i32 to vector<256x128xi32>
    %ne3A_50 = arith.cmpi ne, %rem3A_47, %ne3A_49 : vector<256x128xi32>
    %lt3A_51 = arith.constant 0 : i32
    %lt3A_52 = vector.broadcast %lt3A_51 : i32 to vector<256x128xi32>
    %lt3A_53 = arith.cmpi slt, %rem3A_47, %lt3A_52 : vector<256x128xi32>
    %lt3A_54 = arith.constant 0 : i32
    %lt3A_55 = arith.cmpi slt, %select_n3A_45, %lt3A_54 : i32
    %ne3A_56 = vector.broadcast %lt3A_55 : i1 to vector<256x128xi1>
    %ne3A_57 = vector.broadcast %ne3A_56 : vector<256x128xi1> to vector<256x128xi1>
    %ne3A_58 = arith.xori %lt3A_53, %ne3A_57 : vector<256x128xi1>
    %and3A_59 = arith.andi %ne3A_58, %ne3A_50 : vector<256x128xi1>
    %add3A_60 = vector.broadcast %select_n3A_45 : i32 to vector<256x128xi32>
    %add3A_61 = arith.addi %rem3A_47, %add3A_60 : vector<256x128xi32>
    %select_n3A_62 = arith.select %and3A_59, %add3A_61, %rem3A_47 : vector<256x128xi1>, vector<256x128xi32>
    %add3A_63 = arith.constant 10000 : i32
    %add3A_64 = vector.broadcast %add3A_63 : i32 to vector<256x128xi32>
    %add3A_65 = arith.addi %add3A_64, %select_n3A_62 : vector<256x128xi32>
    %get3A_66 = arith.constant 0 : index
    %get3A_67 = arith.constant 0 : index
    %get3A_68 = arith.constant 0 : index
    %get3A_69 = vector.load %arg2[%get3A_66, %get3A_67, %get3A_68] : memref<1x256x128xi32, #tpu.memory_space<vmem>>, vector<1x256x128xi32>
    %get3A_70 = vector.shape_cast %get3A_69 : vector<1x256x128xi32> to vector<256x128xi32>
    %select_n3A_71 = arith.select %ge3A_16, %add3A_65, %get3A_70 : vector<256x128xi1>, vector<256x128xi32>
    %swap3A_72 = arith.constant 0 : index
    %swap3A_73 = arith.constant 0 : index
    %swap3A_74 = vector.load %arg7[%swap3A_72, %swap3A_73] : memref<256x128xi32, #tpu.memory_space<vmem>>, vector<256x128xi32>
    tpu.vector_store %arg7[%swap3A_72, %swap3A_73], %select_n3A_71 {strides = array<i32>} : memref<256x128xi32, #tpu.memory_space<vmem>>, vector<256x128xi32>,
    return
  }
  func.func @transform_0(%arg0: i32) -> (i32, i32, i32) {
    %c0_i32 = arith.constant 0 : i32
    %c0_i32_0 = arith.constant 0 : i32
    %c0_i32_1 = arith.constant 0 : i32
    return %c0_i32, %arg0, %c0_i32_0 : i32, i32, i32
  }
  func.func @transform_1(%arg0: i32) -> (i32, i32, i32) {
    %c1_i32 = arith.constant 1 : i32
    %c0_i32 = arith.constant 0 : i32
    %c0_i32_0 = arith.constant 0 : i32
    return %c1_i32, %arg0, %c0_i32 : i32, i32, i32
  }
  func.func @transform_2(%arg0: i32) -> (i32, i32) {
    %c0_i32 = arith.constant 0 : i32
    %c0_i32_0 = arith.constant 0 : i32
    return %arg0, %c0_i32 : i32, i32
  }
  func.func @transform_3(%arg0: i32) -> (i32, i32) {
    %c0_i32 = arith.constant 0 : i32
    %c0_i32_0 = arith.constant 0 : i32
    %c0_i32_1 = arith.constant 0 : i32
    return %c0_i32, %c0_i32_0 : i32, i32
  }
  func.func @transform_4(%arg0: i32) -> (i32, i32) {
    %c0_i32 = arith.constant 0 : i32
    %c0_i32_0 = arith.constant 0 : i32
    return %arg0, %c0_i32 : i32, i32
  }
  func.func @transform_5(%arg0: i32) -> (i32, i32) {
    %c0_i32 = arith.constant 0 : i32
    %c0_i32_0 = arith.constant 0 : i32
    return %arg0, %c0_i32 : i32, i32
  }
  func.func @transform_6(%arg0: i32) -> (i32, i32) {
    %c0_i32 = arith.constant 0 : i32
    %c0_i32_0 = arith.constant 0 : i32
    return %arg0, %c0_i32 : i32, i32
  }
}

module attributes {stable_mosaic.version = 14 : i64} {
  func.func @body(%arg0: i32, %arg1: memref<2x2000x128xf32, #tpu.memory_space<vmem>>, %arg2: memref<1x128xf32, #tpu.memory_space<vmem>>, %arg3: memref<2000x128xf32, #tpu.memory_space<vmem>>) attributes {dimension_semantics = [#tpu.dimension_semantics<arbitrary>], iteration_bounds = array<i64: 5>, scalar_prefetch = 0 : i64, scratch_operands = 0 : i64, tpu.core_type = #tpu.core_type<tc>, window_params = [{transform_indices = @transform_0, window_bounds = array<i64: 2, 2000, 128>}, {pipeline_mode = #tpu.pipeline_mode<synchronous>, transform_indices = @transform_1, window_bounds = array<i64: 1, 128>}, {transform_indices = @transform_2, window_bounds = array<i64: 2000, 128>}]} {
    %get3A = arith.constant 0 : index
    %get3A_0 = arith.constant 0 : index
    %get3A_1 = arith.constant 0 : index
    %get3A_2 = vector.load %arg1[%get3A, %get3A_0, %get3A_1] : memref<2x2000x128xf32, #tpu.memory_space<vmem>>, vector<1x2000x128xf32>
    %get3A_3 = vector.shape_cast %get3A_2 : vector<1x2000x128xf32> to vector<2000x128xf32>
    %get3A_4 = arith.constant 1 : index
    %get3A_5 = arith.constant 0 : index
    %get3A_6 = arith.constant 0 : index
    %get3A_7 = vector.load %arg1[%get3A_4, %get3A_5, %get3A_6] : memref<2x2000x128xf32, #tpu.memory_space<vmem>>, vector<1x2000x128xf32>
    %get3A_8 = vector.shape_cast %get3A_7 : vector<1x2000x128xf32> to vector<2000x128xf32>
    %add3A = arith.addf %get3A_3, %get3A_8 : vector<2000x128xf32>
    %get3A_9 = arith.constant 0 : index
    %get3A_10 = arith.constant 0 : index
    %get3A_11 = vector.load %arg2[%get3A_9, %get3A_10] : memref<1x128xf32, #tpu.memory_space<vmem>>, vector<1x128xf32>
    %add3A_12 = vector.broadcast %get3A_11 : vector<1x128xf32> to vector<2000x128xf32>
    %add3A_13 = arith.addf %add3A, %add3A_12 : vector<2000x128xf32>
    %reduce_max3A = arith.constant dense<0xFF800000> : vector<2000xf32>
    %reduce_max3A_14 = vector.multi_reduction <maximumf>, %add3A_13, %reduce_max3A [1] : vector<2000x128xf32> to vector<2000xf32>
    %broadcast_in_dim3A = vector.shape_cast %reduce_max3A_14 : vector<2000xf32> to vector<2000x1xf32>
    %sub3A = vector.broadcast %broadcast_in_dim3A : vector<2000x1xf32> to vector<2000x128xf32>
    %sub3A_15 = arith.subf %add3A_13, %sub3A : vector<2000x128xf32>
    %exp3A = math.exp %sub3A_15 : vector<2000x128xf32>
    %reduce_sum3A = arith.constant dense<0.000000e+00> : vector<2000xf32>
    %reduce_sum3A_16 = vector.multi_reduction <add>, %exp3A, %reduce_sum3A [1] : vector<2000x128xf32> to vector<2000xf32>
    %broadcast_in_dim3A_17 = vector.shape_cast %reduce_sum3A_16 : vector<2000xf32> to vector<2000x1xf32>
    %log3A = math.log %broadcast_in_dim3A_17 : vector<2000x1xf32>
    %add3A_18 = arith.addf %log3A, %broadcast_in_dim3A : vector<2000x1xf32>
    %sub3A_19 = vector.broadcast %add3A_18 : vector<2000x1xf32> to vector<2000x128xf32>
    %sub3A_20 = arith.subf %add3A_13, %sub3A_19 : vector<2000x128xf32>
    %swap3A = arith.constant 0 : index
    %swap3A_21 = arith.constant 0 : index
    %swap3A_22 = vector.load %arg3[%swap3A, %swap3A_21] : memref<2000x128xf32, #tpu.memory_space<vmem>>, vector<2000x128xf32>
    tpu.vector_store %arg3[%swap3A, %swap3A_21], %sub3A_20 {strides = array<i32>} : memref<2000x128xf32, #tpu.memory_space<vmem>>, vector<2000x128xf32>,
    return
  }
  func.func @transform_0(%arg0: i32) -> (i32, i32, i32) {
    %c0_i32 = arith.constant 0 : i32
    %c0_i32_0 = arith.constant 0 : i32
    %c0_i32_1 = arith.constant 0 : i32
    return %c0_i32, %arg0, %c0_i32_0 : i32, i32, i32
  }
  func.func @transform_1(%arg0: i32) -> (i32, i32) {
    %c0_i32 = arith.constant 0 : i32
    %c0_i32_0 = arith.constant 0 : i32
    %c0_i32_1 = arith.constant 0 : i32
    return %c0_i32, %c0_i32_0 : i32, i32
  }
  func.func @transform_2(%arg0: i32) -> (i32, i32) {
    %c0_i32 = arith.constant 0 : i32
    %c0_i32_0 = arith.constant 0 : i32
    return %arg0, %c0_i32 : i32, i32
  }
}

module attributes {stable_mosaic.version = 14 : i64} {
  func.func @body(%arg0: i32, %arg1: memref<2x2000x128xf32, #tpu.memory_space<vmem>>, %arg2: memref<1x128xf32, #tpu.memory_space<vmem>>, %arg3: memref<128x128xf32, #tpu.memory_space<vmem>>, %arg4: memref<2000x128xf32, #tpu.memory_space<vmem>>) attributes {dimension_semantics = [#tpu.dimension_semantics<arbitrary>], iteration_bounds = array<i64: 5>, scalar_prefetch = 0 : i64, scratch_operands = 0 : i64, tpu.core_type = #tpu.core_type<tc>, window_params = [{transform_indices = @transform_0, window_bounds = array<i64: 2, 2000, 128>}, {pipeline_mode = #tpu.pipeline_mode<synchronous>, transform_indices = @transform_1, window_bounds = array<i64: 1, 128>}, {pipeline_mode = #tpu.pipeline_mode<synchronous>, transform_indices = @transform_2, window_bounds = array<i64: 128, 128>}, {transform_indices = @transform_3, window_bounds = array<i64: 2000, 128>}]} {
    %get3A = arith.constant 0 : index
    %get3A_0 = arith.constant 0 : index
    %get3A_1 = arith.constant 0 : index
    %get3A_2 = vector.load %arg1[%get3A, %get3A_0, %get3A_1] : memref<2x2000x128xf32, #tpu.memory_space<vmem>>, vector<1x2000x128xf32>
    %get3A_3 = vector.shape_cast %get3A_2 : vector<1x2000x128xf32> to vector<2000x128xf32>
    %get3A_4 = arith.constant 1 : index
    %get3A_5 = arith.constant 0 : index
    %get3A_6 = arith.constant 0 : index
    %get3A_7 = vector.load %arg1[%get3A_4, %get3A_5, %get3A_6] : memref<2x2000x128xf32, #tpu.memory_space<vmem>>, vector<1x2000x128xf32>
    %get3A_8 = vector.shape_cast %get3A_7 : vector<1x2000x128xf32> to vector<2000x128xf32>
    %add3A = arith.addf %get3A_3, %get3A_8 : vector<2000x128xf32>
    %get3A_9 = arith.constant 0 : index
    %get3A_10 = arith.constant 0 : index
    %get3A_11 = vector.load %arg2[%get3A_9, %get3A_10] : memref<1x128xf32, #tpu.memory_space<vmem>>, vector<1x128xf32>
    %add3A_12 = vector.broadcast %get3A_11 : vector<1x128xf32> to vector<2000x128xf32>
    %add3A_13 = arith.addf %add3A, %add3A_12 : vector<2000x128xf32>
    %max3A = arith.constant 0.000000e+00 : f32
    %max3A_14 = vector.broadcast %max3A : f32 to vector<2000x128xf32>
    %max3A_15 = arith.maximumf %add3A_13, %max3A_14 : vector<2000x128xf32>
    %get3A_16 = arith.constant 0 : index
    %get3A_17 = arith.constant 0 : index
    %get3A_18 = vector.load %arg3[%get3A_16, %get3A_17] : memref<128x128xf32, #tpu.memory_space<vmem>>, vector<128x128xf32>
    %dot_general3A = arith.constant dense<0.000000e+00> : vector<2000x128xf32>
    %dot_general3A_19 = tpu.matmul %max3A_15, %get3A_18, %dot_general3A {dimension_numbers = #tpu.dot_dimension_numbers<[1], [0], [0], [1], [0, 0, 1, 1], [], []>, transpose_lhs_hint = false} : vector<2000x128xf32>, vector<128x128xf32>, vector<2000x128xf32> -> vector<2000x128xf32>
    %swap3A = arith.constant 0 : index
    %swap3A_20 = arith.constant 0 : index
    %swap3A_21 = vector.load %arg4[%swap3A, %swap3A_20] : memref<2000x128xf32, #tpu.memory_space<vmem>>, vector<2000x128xf32>
    tpu.vector_store %arg4[%swap3A, %swap3A_20], %dot_general3A_19 {strides = array<i32>} : memref<2000x128xf32, #tpu.memory_space<vmem>>, vector<2000x128xf32>,
    return
  }
  func.func @transform_0(%arg0: i32) -> (i32, i32, i32) {
    %c0_i32 = arith.constant 0 : i32
    %c0_i32_0 = arith.constant 0 : i32
    %c0_i32_1 = arith.constant 0 : i32
    return %c0_i32, %arg0, %c0_i32_0 : i32, i32, i32
  }
  func.func @transform_1(%arg0: i32) -> (i32, i32) {
    %c0_i32 = arith.constant 0 : i32
    %c0_i32_0 = arith.constant 0 : i32
    %c0_i32_1 = arith.constant 0 : i32
    return %c0_i32, %c0_i32_0 : i32, i32
  }
  func.func @transform_2(%arg0: i32) -> (i32, i32) {
    %c0_i32 = arith.constant 0 : i32
    %c0_i32_0 = arith.constant 0 : i32
    %c0_i32_1 = arith.constant 0 : i32
    return %c0_i32, %c0_i32_0 : i32, i32
  }
  func.func @transform_3(%arg0: i32) -> (i32, i32) {
    %c0_i32 = arith.constant 0 : i32
    %c0_i32_0 = arith.constant 0 : i32
    return %arg0, %c0_i32 : i32, i32
  }
}

</mosaic_0001>

<sc_bundles>
// kernel: kernel.10.cloned.1.call-start
scs
__scs_entry_jumppad:
0x0: {  	(pc) =	sbr.rel $0x88, $3  }
0x1: {  	(tag) =	ssettag $0x0;
	lr =	simm.s32 $0x1  }
0x2: {  	[smem:$0x3F9B] =	sst lr;
	_ =	strace $0xD0000000  }
0x3: {  	_ = 	snop  }
0x4: {  	_ = 	snop  }
0x5: {  	_ = 	snop  }
0x6: {  	_ = 	snop  }
0x7: {  	_ = 	snop  }
__scs_overlays_trampoline_lowered:
0x8: {  	[smem:$0x3FAA] =	sst s0  }
0x9: {  	[smem:$0x3FAB] =	sst s1  }
0xa: {  	[smem:$0x3FAC] =	sst s2  }
0xb: {  	[smem:$0x3FAD] =	sst s3  }
0xc: {  	[smem:$0x3FAE] =	sst s4  }
0xd: {  	[smem:$0x3FAF] =	sst s5  }
0xe: {  	[smem:$0x3FB0] =	sst s6  }
0xf: {  	[smem:$0x3FB1] =	sst s7  }
0x10: {  	[smem:$0x3FB2] =	sst s8  }
0x11: {  	[smem:$0x3FB3] =	sst s9;
	s0 =	simm.s32 @!p0 $0x0  }
0x12: {  	s1 =	sld [smem:$0x3F99];
	s0 =	simm.s32 @p0 $0x1  }
0x13: {  	[smem:$0x3FB4] =	sst s0;
	s0 =	simm.s32 @!p1 $0x0  }
0x14: {  	s2 =	sld [smem:$0x3F98];
	s0 =	simm.s32 @p1 $0x1  }
0x15: {  	[smem:$0x3FB5] =	sst s0;
	s0 =	simm.s32 @!p2 $0x0  }
0x16: {  	s3 =	sld [smem:$0x3FDB];
	s0 =	simm.s32 @p2 $0x1  }
0x17: {  	s4 =	simm.s32 $0x1BF5;
	[smem:$0x3FB7] =	sst s0  }
0x18: {  	s0 =	sld [smem:$0x3F9A];
	_ =	swait.ge [sflag:s4], $0x0  }
0x19: {  	s7 =	sld [smem:$0x3F9B]  }
0x1a: {  	s8 =	sadd.s32 $0xFFFFE003, lr  }
0x1b: {  	s9 =	sadd.s32 $0xFFFFFEF7, lr;
	s5 =	simm.s32 $0xFFFFFFFF;
	p2 =	slt.u32 s8, $0xFFFFF086  }
0x1c: {  	p1 =	slt.u32 s9, $0xF7A;
	s5 =	simm.s32 @!p2 $0x0  }
0x1d: {  	s5 =	simm.s32 @p1 $0x1;
	p0 =	seq.s32 s7, s2  }
0x1e: {  	s7 =	smul.u32 @!p0 $0xF7A, s2;
	p2 =	seq.s32 @!p0 s5, $0x0  }
0x1f: {  	s9 =	smul.u32 $0xF7A, s1;
	s8 =	simm.s32 @!p0 $0x1BF5;
	p2 =	por !p2, p0  }
0x20: {  	[sflag:s8] =	ssyncset.s32 @!p0 $0xFFFFF086;
	s6 =	sadd.s32 @!p0 s3, s7;
	s7 =	simm.s32 @!p0 $0x108  }
0x21: {  	s3 =	sadd.s32 s3, s9;
	s6 =	sadd.s32 @!p0 $0x88, s6;
	s7 =	simm.s32 @p2 $0x1082  }
0x22: {  	[simem:s7], [sflag:s8] =	dma.local @!p0 [hbm:s6], $0xF7A  }
0x23: {  	s9 =	sor.u32 $0xD0000000, s2;
	s6 =	simm.s32 $0x108;
	_ =	swait.ge @!p0 [sflag:s8], $0x0  }
0x24: {  	s3 =	sadd.s32 $0x88, s3;
	s6 =	simm.s32 @!p1 $0x1082;
	[sflag:s4] =	ssyncset.s32 $0xFFFFF086  }
0x25: {  	[simem:s6], [sflag:s4] =	dma.local [hbm:s3], $0xF7A  }
0x26: {  	[smem:$0x3F9B] =	sst s1;
	(tag) =	ssettag s2;
	_ =	strace s9  }
0x27: {  	s1 =	sld [smem:$0x3FAB]  }
0x28: {  	s2 =	sld [smem:$0x3FAC]  }
0x29: {  	s4 =	sld [smem:$0x3FAE]  }
0x2a: {  	p0 =	seq.s32 s5, $0x0;
	s5 =	sld [smem:$0x3FAF]  }
0x2b: {  	s6 =	sld [smem:$0x3FB0]  }
0x2c: {  	s7 =	sld [smem:$0x3FB1]  }
0x2d: {  	s3 =	simm.s32 $0x108;
	s8 =	sld [smem:$0x3FB2]  }
0x2e: {  	s3 =	simm.s32 @!p0 $0x1082;
	s9 =	sld [smem:$0x3FB3]  }
0x2f: {  	lr =	sadd.s32 s0, s3;
	s0 =	sld [smem:$0x3FAA]  }
0x30: {  	s3 =	sld [smem:$0x3FAD]  }
0x31: {  	[smem:$0x3FB6] =	sst s10  }
0x32: {  	s10 =	sld [smem:$0x3FB4];
	_ =	sdelay $0x3  }
0x33: {  	p0 =	seq.s32 s10, $0x1;
	s10 =	sld [smem:$0x3FB6];
	_ =	sdelay $0x3  }
0x34: {  	[smem:$0x3FB6] =	sst s10  }
0x35: {  	s10 =	sld [smem:$0x3FB5];
	_ =	sdelay $0x3  }
0x36: {  	p1 =	seq.s32 s10, $0x1;
	s10 =	sld [smem:$0x3FB6];
	_ =	sdelay $0x3  }
0x37: {  	[smem:$0x3FB6] =	sst s10  }
0x38: {  	s10 =	sld [smem:$0x3FB7]  }
0x39: {  	_ = 	snop;
	(pc) =	sbr.ind lr, $3  }
0x3a: {  	_ = 	snop  }
0x3b: {  	_ = 	snop  }
0x3c: {  	p2 =	seq.s32 s10, $0x1;
	s10 =	sld [smem:$0x3FB6]  }
0x3d: {  	_ =	shalt  }
0x3e: {  	_ =	shalt  }
0x3f: {  	_ =	shalt  }
0x40: {  	_ =	shalt  }
0x41: {  	_ =	shalt  }
0x42: {  	_ =	shalt  }
0x43: {  	_ =	shalt  }
0x44: {  	_ =	shalt  }
0x45: {  	_ =	shalt  }
0x46: {  	_ =	shalt  }
0x47: {  	_ =	shalt  }
0x48: {  	_ =	shalt  }
0x49: {  	_ =	shalt  }
0x4a: {  	_ =	shalt  }
0x4b: {  	_ =	shalt  }
0x4c: {  	_ =	shalt  }
0x4d: {  	_ =	shalt  }
0x4e: {  	_ =	shalt  }
0x4f: {  	_ =	shalt  }
0x50: {  	_ =	shalt  }
0x51: {  	_ =	shalt  }
0x52: {  	_ =	shalt  }
0x53: {  	_ =	shalt  }
0x54: {  	_ =	shalt  }
0x55: {  	_ =	shalt  }
0x56: {  	_ =	shalt  }
0x57: {  	_ =	shalt  }
0x58: {  	_ =	shalt  }
0x59: {  	_ =	shalt  }
0x5a: {  	_ =	shalt  }
0x5b: {  	_ =	shalt  }
0x5c: {  	_ =	shalt  }
0x5d: {  	_ =	shalt  }
0x5e: {  	_ =	shalt  }
0x5f: {  	_ =	shalt  }
0x60: {  	_ =	shalt  }
0x61: {  	_ =	shalt  }
0x62: {  	_ =	shalt  }
0x63: {  	_ =	shalt  }
0x64: {  	_ =	shalt  }
0x65: {  	_ =	shalt  }
0x66: {  	_ =	shalt  }
0x67: {  	_ =	shalt  }
0x68: {  	_ =	shalt  }
0x69: {  	_ =	shalt  }
0x6a: {  	_ =	shalt  }
0x6b: {  	_ =	shalt  }
0x6c: {  	_ =	shalt  }
0x6d: {  	_ =	shalt  }
0x6e: {  	_ =	shalt  }
0x6f: {  	_ =	shalt  }
0x70: {  	_ =	shalt  }
0x71: {  	_ =	shalt  }
0x72: {  	_ =	shalt  }
0x73: {  	_ =	shalt  }
0x74: {  	_ =	shalt  }
0x75: {  	_ =	shalt  }
0x76: {  	_ =	shalt  }
0x77: {  	_ =	shalt  }
0x78: {  	_ =	shalt  }
0x79: {  	_ =	shalt  }
0x7a: {  	_ =	shalt  }
0x7b: {  	_ =	shalt  }
0x7c: {  	_ =	shalt  }
0x7d: {  	_ =	shalt  }
0x7e: {  	_ =	shalt  }
0x7f: {  	_ =	shalt  }
0x80: {  	_ =	shalt  }
0x81: {  	_ =	shalt  }
0x82: {  	_ =	shalt  }
0x83: {  	_ =	shalt  }
0x84: {  	_ =	shalt  }
0x85: {  	_ =	shalt  }
0x86: {  	_ =	shalt  }
0x87: {  	_ =	shalt  }
.Lfunc_end0:
.L_simem_size_0:
called_computation.1_lowered:
.L_overlay_start_0:
0x88: {  	s2 =	sld [smem:$0x3FD9]  }
0x89: {  	s3 =	sld [smem:$0x3FFE];
	_ =	sdelay $0x1  }
0x8a: {  	s1 =	srdreg.scid  }
0x8b: {  	s0 =	sand.u32 $0x1, s1  }
0x8c: {  	s17 =	sshll.u32 s0, $0xA;
	s2 =	sadd.s32 s3, s2  }
0x8d: {  	s2 =	sadd.s32 s2, s17  }
0x8e: {  	[smem:$0x3FC2] =	sst s2  }
0x8f: {  	_ = 	snop  }
0x90: {  	s2 =	sld [smem:$0x3FD0];
	(tm) =	ssettm $0x1  }
0x91: {  	s18 =	sld [smem:$0x3FFB];
	_ =	sdelay $0x3  }
0x92: {  	_ =	strace s18  }
0x93: {  	s3 =	sld [smem:$0x3FFC];
	_ =	sdelay $0x3  }
0x94: {  	_ =	strace s3  }
0x95: {  	s3 =	sld [smem:$0x3FFD];
	_ =	sdelay $0x3  }
0x96: {  	_ =	strace s3  }
0x97: {  	_ =	strace $0x8FFFFFFF  }
0x98: {  	s19 =	sld [smem:$0x3FDB];
	_ =	sdelay $0x1  }
0x99: {  	s4 =	simm.s32 $_scs_section_size  }
0x9a: {  	s5 =	simm.s32 $_size__tile_overlayer_lowered;
	s6 =	simm.s32 $_tile_overlayer_lowered  }
0x9b: {  	s22 =	simm.s32 $0x1BFF;
	s21 =	sshll.u32 s6, $0x1;
	s3 =	sadd.s32 s4, s19  }
0x9c: {  	s7 =	simm.s32 $0x0;
	s20 =	sshll.u32 s5, $0x1;
	s5 =	sadd.s32 s21, s3  }
0x9d: {  	[timem:s7], [sflag:s22] =	dma.local [hbm:s5], s20  }
0x9e: {  	_ =	swait.ge [sflag:s22], s20  }
0x9f: {  	s4 =	ssub.s32 $0x0, s20;
	[sflag:s22] =	ssyncset.done $0x0  }
0xa0: {  	[sflag:s22] =	ssyncadd.s32 s4;
	_ =	sdelay $0x1  }
0xa1: {  	s23 =	simm.s32 $0x1B8B  }
0xa2: {  	_ =	swait.ge [sflag:s23], $0x1  }
0xa3: {  	[sflag:s23] =	ssyncset.done $0x0  }
0xa4: {  	s25 =	simm.s32 $0x1B8E;
	s24 =	sld [smem:$0x3FFE];
	[sflag:s23] =	ssyncadd.s32 $0xFFFFFFFF  }
0xa5: {  	s26 =	simm.s32 $execute0_lowered;
	[smem:$0x3FD2] =	sst s25  }
0xa6: {  	s5 =	sshll.u32 s26, $0x1;
	_ =	strace $0x80000049;
	[dreg:$0x1] =	wrdreg $0xFFFFFFFF  }
0xa7: {  	s28 =	simm.s32 $_size_execute0_lowered;
	s3 =	sadd.s32 s3, s5;
	[dreg:$0x0] =	wrdreg $0x0  }
0xa8: {  	s5 =	sshll.u32 s28, $0x1;
	[dreg:$0x2] =	wrdreg s3  }
0xa9: {  	[dreg:$0x3] =	wrdreg s5  }
0xaa: {  	[dreg:$0x4] =	wrdreg $0xC0  }
0xab: {  	_ =	task [dreg:s7], $0x5FFFF  }
0xac: {  	[dreg:$0x1] =	wrdreg $0xFFFFFFFF  }
0xad: {  	[dreg:$0x0] =	wrdreg $0x60  }
0xae: {  	[dreg:$0x2] =	wrdreg s2  }
0xaf: {  	[dreg:$0x3] =	wrdreg s24  }
0xb0: {  	[dreg:$0x4] =	wrdreg $0x0  }
0xb1: {  	[dreg:$0x5] =	wrdreg $0x9  }
0xb2: {  	_ =	task.clear_ibuf [dreg:s7], $0x6FFFF;
	_ =	strace $0x90000049  }
0xb3: {  	s29 =	simm.s32 $0x9;
	_ =	strace $0x8000004B  }
0xb4: {  	_ =	swait.ge [sflag:s29], $0x1  }
0xb5: {  	[sflag:s29] =	ssyncadd.s32 $0xFFFFFFFF  }
0xb6: {  	_ =	strace $0x9000004B  }
0xb7: {  	_ =	sfence  }
0xb8: {  	s30 =	sld [smem:$0x0];
	_ =	sdelay $0x2  }
0xb9: {  	s31 =	sshll.u32 s1, $0xD;
	s1 =	sshrl.u32 s1, $0x2  }
0xba: {  	s3 =	sand.u32 $0x4000, s31;
	s1 =	sadd.s32 s1, s30  }
0xbb: {  	s0 =	sor.u32 s3, s0;
	s1 =	sshll.u32 s1, $0x11  }
0xbc: {  	s0 =	sor.u32 s1, s0  }
0xbd: {  	s0 =	sadd.s32 $0x8F2B, s0  }
0xbe: {  	[sflag:s0] =	ssyncadd.remote.s32 $0x1  }
0xbf: {  	_ =	sfence.sel $0xFFFF  }
0xc0: {  	[dreg:$0x0] =	wrdreg $0xFFFFFFFF;
	(pc) =	sbr.abs _section_cstart, $3  }
0xc1: {  	[dreg:$0x1] =	wrdreg $0xFFFFFFFF  }
0xc2: {  	_ =	task.clear_ibuf [dreg:s7], $0x2FFFF;
	_ =	strace $0x9FFFFFFF  }
0xc3: {  	(tm) =	ssettm $0x7FFFFFFF  }
tec
execute0_lowered:
.L_overlay_start_1:
0x0: {  	(tag) =	ssettag $0x1  }
0x1: {  	s1 =	rddreg [dreg:$0x0]  }
0x2: {  	s6 =	rddreg [dreg:$0x1]  }
0x3: {  	s2 =	rddreg [dreg:$0x2];
	s3 =	srdreg.scid  }
0x4: {  	s0 =	rddreg [dreg:$0x3];
	s4 =	simm.s32 $0x0;
	s17 =	simm.s32 $0x3  }
0x5: {  	s18 =	simm.s32 $0x1;
	s19 =	simm.s32 $0x2;
	s20 =	simm.s32 $0x80  }
0x6: {  	s21 =	simm.s32 $0x16400;
	s22 =	simm.s32 $0x13C80;
	s23 =	simm.s32 $0x1A400  }
0x7: {  	s28 =	simm.s32 $0x0;
	s7 =	sand.u32 $0x1, s3;
	s3 =	stileid.u32  }
0x8: {  	[smem:$0x7FF] =	sst s4;
	s10 =	sadd.s32 $0x2000, s6;
	s8 =	smul.u32 $0x13C000, s7  }
0x9: {  	s11 =	sadd.s32 $0xC000, s6;
	s5 =	sadd.s32 $0x16000, s6;
	s9 =	smul.u32 $0x13C00, s3  }
0xa: {  	_ =	strace $0x8000004A;
	s24 =	ssub.s32 $0x2, s7;
	s7 =	sshll.u32 s7, $0x4  }
0xb: {  	s13 =	smul.u32 $0x4F000, s3;
	s12 =	sshrl.u32 s24, $0x1;
	s7 =	sor.u32 s3, s7  }
0xc: {  	s8 =	sadd.s32 s9, s8;
	s15 =	ssub.s32 s24, s12;
	s25 =	smul.u32 $0x2800, s7  }
0xd: {  	s26 =	sshrl.u32 s13, $0x2;
	s29 =	smul.u32 $0x500, s7;
	s24 =	simm.s32 $0x4  }
0xe: {  	s8 =	sshrl.u32 s8, $0x3;
	s16 =	sadd.s32 s26, s2;
	s13 =	smax.u32 s15, $0x1  }
0xf: {  	s15 =	simm.s32 $0x13C00;
	s26 =	simm.s32 $0x16380;
	s14 =	sadd.s32 s8, s6  }
0x10: {  	s6 =	sshll.u32 s3, $0x6;
	s30 =	sshrl.u32 s25, $0x3;
	s8 =	sadd.s32 s10, s29  }
0x11: {  	s9 =	sadd.s32 s11, s29;
	s25 =	simm.s32 $0x16300;
	s7 =	sor.u32 $0x1C03, s6  }
0x12: {  	s31 =	sadd.s32 $0x280, s30;
	s12 =	sadd.s32 $0x18800, s14;
	s14 =	sshrl.u32 s16, $0x3  }
0x13: {  	s16 =	simm.s32 $0x15000;
	s10 =	sadd.s32 s10, s31;
	s11 =	sadd.s32 s11, s31  }
.LBB2_1:
0x14: {  	[spmem:s14], [sflag:s7] =	dma.local [hbm:s5], $0x2780  }
0x15: {  	[tilespmem:s15], [sflag:$0x1] =	stream.linear.gather [hbm4b:s8+s4], $0x1400, $0x38;
	[tilespmem:$0x1E400] =	vst v63  }
0x16: {  	_ = 	snop  }
0x17: {  	[tilespmem:s16], [sflag:$0x2] =	stream.linear.gather [hbm4b:s9+s4], $0x1400, $0x38;
	[tilespmem:$0x1E400] =	vst v63  }
0x18: {  	_ =	swait.ge [sflag:s17], $0x2780  }
0x19: {  	[sflag:s17] =	ssyncset.done $0x0  }
0x1a: {  	[sflag:s17] =	ssyncadd.s32 $0xFFFFD880  }
0x1b: {  	_ =	swait.ge [sflag:s18], $0x1400  }
0x1c: {  	[sflag:s18] =	ssyncset.done $0x0  }
0x1d: {  	[sflag:s18] =	ssyncadd.s32 $0xFFFFEC00  }
0x1e: {  	_ =	swait.ge [sflag:s19], $0x1400  }
0x1f: {  	[sflag:s19] =	ssyncset.done $0x0  }
0x20: {  	[sflag:s19] =	ssyncadd.s32 $0xFFFFEC00  }
0x21: {  	[bflag:$0x0] =	sbarrier.arrive $0xFFFF  }
0x22: {  	[tilespmem:s21], [sflag:$0x1] =	stream.indirect.gather [hbm4b:s1+s20], $0x80, s15, s20, $0xb8;
	[tilespmem:$0x1E400] =	vst v63  }
0x23: {  	_ = 	snop  }
0x24: {  	[tilespmem:s23], [sflag:$0x2] =	stream.indirect.gather [hbm4b:s1+s20], $0x80, s22, s20, $0xb8;
	[tilespmem:$0x1E400] =	vst v63  }
0x25: {  	_ =	swait.ge [sflag:s18], $0x4000  }
0x26: {  	[sflag:s18] =	ssyncset.done $0x0  }
0x27: {  	s29 =	simm.s32 $0x15000;
	[sflag:s18] =	ssyncadd.s32 $0xFFFFC000  }
0x28: {  	[spmem:s2] =	stream.indirect.scatter.add.f32 [tilespmem:s21], [sflag:$0x4], $0x80, s29, s20, $0xb8;
	[tilespmem:$0x1E400] =	vst v63  }
0x29: {  	_ =	swait.ge [sflag:s24], $0x4000  }
0x2a: {  	[sflag:s24] =	ssyncset.done $0x0  }
0x2b: {  	s29 =	simm.s32 $0x13D00;
	[sflag:s24] =	ssyncadd.s32 $0xFFFFC000  }
0x2c: {  	[tilespmem:s21], [sflag:$0x1] =	stream.indirect.gather [hbm4b:s1+s20], $0x80, s29, s20, $0xb8;
	[tilespmem:$0x1E400] =	vst v63  }
0x2d: {  	_ =	swait.ge [sflag:s19], $0x4000  }
0x2e: {  	[sflag:s19] =	ssyncset.done $0x0  }
0x2f: {  	s29 =	simm.s32 $0x15080;
	[sflag:s19] =	ssyncadd.s32 $0xFFFFC000  }
0x30: {  	[spmem:s2] =	stream.indirect.scatter.add.f32 [tilespmem:s23], [sflag:$0x4], $0x80, s29, s20, $0xb8;
	[tilespmem:$0x1E400] =	vst v63  }
0x31: {  	_ =	swait.ge [sflag:s24], $0x4000  }
0x32: {  	[sflag:s24] =	ssyncset.done $0x0  }
0x33: {  	s30 =	simm.s32 $0x13D80;
	s29 =	simm.s32 $0x400;
	[sflag:s24] =	ssyncadd.s32 $0xFFFFC000  }
.LBB2_2:
0x34: {  	[tilespmem:s23], [sflag:$0x2] =	stream.indirect.gather [hbm4b:s1+s20], $0x80, s30, s20, $0xb8;
	[tilespmem:$0x1E400] =	vst v63  }
0x35: {  	s30 =	smov.u32 s29  }
0x36: {  	p0 =	sne.s32 s29, $0x4800;
	s29 =	sadd.s32 $0x400, s29;
	_ =	swait.ge [sflag:s18], $0x4000  }
0x37: {  	s30 =	sshra.s32 s30, $0x2;
	[sflag:s18] =	ssyncset.done $0x0  }
0x38: {  	s31 =	sadd.s32 $0x15000, s30;
	[sflag:s18] =	ssyncadd.s32 $0xFFFFC000  }
0x39: {  	[spmem:s2] =	stream.indirect.scatter.add.f32 [tilespmem:s21], [sflag:$0x4], $0x80, s31, s20, $0xb8;
	[tilespmem:$0x1E400] =	vst v63  }
0x3a: {  	_ =	swait.ge [sflag:s24], $0x4000  }
0x3b: {  	[sflag:s24] =	ssyncset.done $0x0  }
0x3c: {  	s31 =	sadd.s32 $0x13D00, s30;
	[sflag:s24] =	ssyncadd.s32 $0xFFFFC000  }
0x3d: {  	[tilespmem:s21], [sflag:$0x1] =	stream.indirect.gather [hbm4b:s1+s20], $0x80, s31, s20, $0xb8;
	[tilespmem:$0x1E400] =	vst v63  }
0x3e: {  	_ =	swait.ge [sflag:s19], $0x4000  }
0x3f: {  	[sflag:s19] =	ssyncset.done $0x0  }
.Ltmp0:
0x40: {  	s31 =	sadd.s32 $0x15080, s30;
	[sflag:s19] =	ssyncadd.s32 $0xFFFFC000;
	(pc) =	sbr.rel @p0 .LBB2_2-.Ltmp0, $4  }
0x41: {  	[spmem:s2] =	stream.indirect.scatter.add.f32 [tilespmem:s23], [sflag:$0x4], $0x80, s31, s20, $0xb8;
	[tilespmem:$0x1E400] =	vst v63  }
0x42: {  	_ =	swait.ge [sflag:s24], $0x4000  }
0x43: {  	[sflag:s24] =	ssyncset.done $0x0  }
0x44: {  	s30 =	sadd.s32 $0x13D80, s30;
	[sflag:s24] =	ssyncadd.s32 $0xFFFFC000  }
0x45: {  	[tilespmem:s23], [sflag:$0x2] =	stream.indirect.gather [hbm4b:s1+s20], $0x80, s30, s20, $0xb8;
	[tilespmem:$0x1E400] =	vst v63  }
0x46: {  	_ =	swait.ge [sflag:s18], $0x4000  }
0x47: {  	[sflag:s18] =	ssyncset.done $0x0  }
0x48: {  	[sflag:s18] =	ssyncadd.s32 $0xFFFFC000  }
0x49: {  	[spmem:s2] =	stream.indirect.scatter.add.f32 [tilespmem:s21], [sflag:$0x4], $0x80, s25, s20, $0xb8;
	[tilespmem:$0x1E400] =	vst v63  }
0x4a: {  	_ =	swait.ge [sflag:s24], $0x4000  }
0x4b: {  	[sflag:s24] =	ssyncset.done $0x0  }
0x4c: {  	[sflag:s24] =	ssyncadd.s32 $0xFFFFC000  }
0x4d: {  	_ =	swait.ge [sflag:s19], $0x4000  }
0x4e: {  	[sflag:s19] =	ssyncset.done $0x0  }
0x4f: {  	[sflag:s19] =	ssyncadd.s32 $0xFFFFC000  }
0x50: {  	[spmem:s2] =	stream.indirect.scatter.add.f32 [tilespmem:s23], [sflag:$0x4], $0x80, s26, s20, $0xb8;
	[tilespmem:$0x1E400] =	vst v63  }
0x51: {  	_ =	swait.ge [sflag:s24], $0x4000  }
0x52: {  	[sflag:s24] =	ssyncset.done $0x0  }
0x53: {  	s29 =	simm.s32 $0x0;
	[sflag:s24] =	ssyncadd.s32 $0xFFFFC000  }
0x54: {  	[tilespmem:s15], [sflag:$0x4] =	stream.linear.gather [hbm4b:s10+s29], $0x1400, $0x38;
	[tilespmem:$0x1E400] =	vst v63  }
0x55: {  	_ =	swait.ge [sflag:s24], $0x1400  }
0x56: {  	[sflag:s24] =	ssyncset.done $0x0  }
0x57: {  	[sflag:s24] =	ssyncadd.s32 $0xFFFFEC00  }
0x58: {  	[tilespmem:s16], [sflag:$0x4] =	stream.linear.gather [hbm4b:s11+s29], $0x1400, $0x38;
	[tilespmem:$0x1E400] =	vst v63  }
0x59: {  	_ =	swait.ge [sflag:s24], $0x1400  }
0x5a: {  	[sflag:s24] =	ssyncset.done $0x0  }
0x5b: {  	[sflag:s24] =	ssyncadd.s32 $0xFFFFEC00  }
0x5c: {  	[tilespmem:s21], [sflag:$0x1] =	stream.indirect.gather [hbm4b:s1+s20], $0x80, s15, s20, $0xb8;
	[tilespmem:$0x1E400] =	vst v63  }
0x5d: {  	_ = 	snop  }
0x5e: {  	[tilespmem:s23], [sflag:$0x2] =	stream.indirect.gather [hbm4b:s1+s20], $0x80, s22, s20, $0xb8;
	[tilespmem:$0x1E400] =	vst v63  }
0x5f: {  	_ =	swait.ge [sflag:s18], $0x4000  }
0x60: {  	[sflag:s18] =	ssyncset.done $0x0  }
0x61: {  	s29 =	simm.s32 $0x15000;
	[sflag:s18] =	ssyncadd.s32 $0xFFFFC000  }
0x62: {  	[spmem:s2] =	stream.indirect.scatter.add.f32 [tilespmem:s21], [sflag:$0x4], $0x80, s29, s20, $0xb8;
	[tilespmem:$0x1E400] =	vst v63  }
0x63: {  	_ =	swait.ge [sflag:s24], $0x4000  }
0x64: {  	[sflag:s24] =	ssyncset.done $0x0  }
0x65: {  	s29 =	simm.s32 $0x13D00;
	[sflag:s24] =	ssyncadd.s32 $0xFFFFC000  }
0x66: {  	[tilespmem:s21], [sflag:$0x1] =	stream.indirect.gather [hbm4b:s1+s20], $0x80, s29, s20, $0xb8;
	[tilespmem:$0x1E400] =	vst v63  }
0x67: {  	_ =	swait.ge [sflag:s19], $0x4000  }
0x68: {  	[sflag:s19] =	ssyncset.done $0x0  }
0x69: {  	s29 =	simm.s32 $0x15080;
	[sflag:s19] =	ssyncadd.s32 $0xFFFFC000  }
0x6a: {  	[spmem:s2] =	stream.indirect.scatter.add.f32 [tilespmem:s23], [sflag:$0x4], $0x80, s29, s20, $0xb8;
	[tilespmem:$0x1E400] =	vst v63  }
0x6b: {  	_ =	swait.ge [sflag:s24], $0x4000  }
0x6c: {  	[sflag:s24] =	ssyncset.done $0x0  }
0x6d: {  	s30 =	simm.s32 $0x13D80;
	s29 =	simm.s32 $0x400;
	[sflag:s24] =	ssyncadd.s32 $0xFFFFC000  }
.LBB2_4:
0x6e: {  	[tilespmem:s23], [sflag:$0x2] =	stream.indirect.gather [hbm4b:s1+s20], $0x80, s30, s20, $0xb8;
	[tilespmem:$0x1E400] =	vst v63  }
0x6f: {  	s30 =	smov.u32 s29  }
0x70: {  	p0 =	sne.s32 s29, $0x4800;
	s29 =	sadd.s32 $0x400, s29;
	_ =	swait.ge [sflag:s18], $0x4000  }
0x71: {  	s30 =	sshra.s32 s30, $0x2;
	[sflag:s18] =	ssyncset.done $0x0  }
0x72: {  	s31 =	sadd.s32 $0x15000, s30;
	[sflag:s18] =	ssyncadd.s32 $0xFFFFC000  }
0x73: {  	[spmem:s2] =	stream.indirect.scatter.add.f32 [tilespmem:s21], [sflag:$0x4], $0x80, s31, s20, $0xb8;
	[tilespmem:$0x1E400] =	vst v63  }
0x74: {  	_ =	swait.ge [sflag:s24], $0x4000  }
0x75: {  	[sflag:s24] =	ssyncset.done $0x0  }
0x76: {  	s31 =	sadd.s32 $0x13D00, s30;
	[sflag:s24] =	ssyncadd.s32 $0xFFFFC000  }
0x77: {  	[tilespmem:s21], [sflag:$0x1] =	stream.indirect.gather [hbm4b:s1+s20], $0x80, s31, s20, $0xb8;
	[tilespmem:$0x1E400] =	vst v63  }
0x78: {  	_ =	swait.ge [sflag:s19], $0x4000  }
0x79: {  	[sflag:s19] =	ssyncset.done $0x0  }
.Ltmp1:
0x7a: {  	s31 =	sadd.s32 $0x15080, s30;
	[sflag:s19] =	ssyncadd.s32 $0xFFFFC000;
	(pc) =	sbr.rel @p0 .LBB2_4-.Ltmp1, $4  }
0x7b: {  	[spmem:s2] =	stream.indirect.scatter.add.f32 [tilespmem:s23], [sflag:$0x4], $0x80, s31, s20, $0xb8;
	[tilespmem:$0x1E400] =	vst v63  }
0x7c: {  	_ =	swait.ge [sflag:s24], $0x4000  }
0x7d: {  	[sflag:s24] =	ssyncset.done $0x0  }
0x7e: {  	s30 =	sadd.s32 $0x13D80, s30;
	[sflag:s24] =	ssyncadd.s32 $0xFFFFC000  }
0x7f: {  	[tilespmem:s23], [sflag:$0x2] =	stream.indirect.gather [hbm4b:s1+s20], $0x80, s30, s20, $0xb8;
	[tilespmem:$0x1E400] =	vst v63  }
0x80: {  	_ =	swait.ge [sflag:s18], $0x4000  }
0x81: {  	[sflag:s18] =	ssyncset.done $0x0  }
0x82: {  	[sflag:s18] =	ssyncadd.s32 $0xFFFFC000  }
0x83: {  	[spmem:s2] =	stream.indirect.scatter.add.f32 [tilespmem:s21], [sflag:$0x4], $0x80, s25, s20, $0xb8;
	[tilespmem:$0x1E400] =	vst v63  }
0x84: {  	_ =	swait.ge [sflag:s24], $0x4000  }
0x85: {  	[sflag:s24] =	ssyncset.done $0x0  }
0x86: {  	[sflag:s24] =	ssyncadd.s32 $0xFFFFC000  }
0x87: {  	_ =	swait.ge [sflag:s19], $0x4000  }
0x88: {  	[sflag:s19] =	ssyncset.done $0x0  }
0x89: {  	[sflag:s19] =	ssyncadd.s32 $0xFFFFC000  }
0x8a: {  	[spmem:s2] =	stream.indirect.scatter.add.f32 [tilespmem:s23], [sflag:$0x4], $0x80, s26, s20, $0xb8;
	[tilespmem:$0x1E400] =	vst v63  }
0x8b: {  	_ =	swait.ge [sflag:s24], $0x4000  }
0x8c: {  	s28 =	sadd.s32 $0x1, s28;
	[sflag:s24] =	ssyncset.done $0x0  }
0x8d: {  	p0 =	sne.s32 s28, s13;
	[sflag:s24] =	ssyncadd.s32 $0xFFFFC000  }
.Ltmp2:
0x8e: {  	s29 =	sor.u32 $0x1C04, s6;
	[bflag:$0x0] =	sbarrier.arrive $0xFFFF;
	(pc) =	sbr.rel @p0 .LBB2_1-.Ltmp2, $4  }
0x8f: {  	[hbm:s12], [sflag:s29] =	dma.local [spmem:s14], $0x2780  }
0x90: {  	_ =	swait.ge [sflag:s24], $0x2780  }
0x91: {  	[sflag:s24] =	ssyncset.done $0x0  }
0x92: {  	[sflag:s24] =	ssyncadd.s32 $0xFFFFD880  }
0x93: {  	_ =	sfence.sel $0x180000  }
0x94: {  	[bflag:$0x0] =	sbarrier.arrive $0xFFFF  }
0x95: {  	p0 =	sne.s32 s3, $0x0;
	_ =	strace $0x9000004A  }
0x96: {  	s0 =	sadd.s32 @!p0 $0x100000, s0;
	[bflag:$0x2] =	sbarrier.arrive $0xFFFF  }
0x97: {  	[sflag:s0] =	ssyncadd.tile.s32 @!p0 $0x1;
	_ =	shalt  }
.Lfunc_end2:
_tile_overlayer_lowered:
.L_overlay_start_2:
0x98: {  	(tag) =	ssettag $0x2  }
0x99: {  	s0 =	rddreg [dreg:$0x0];
	s2 =	stileid.u32  }
0x9a: {  	s1 =	rddreg [dreg:$0x1];
	p0 =	sne.s32 s2, $0x0  }
0x9b: {  	s3 =	rddreg [dreg:$0x2];
	[bflag:$0x3] =	sbarrier.arrive $0xFFFF;
	s2 =	simm.s32 @!p0 $0x1C04  }
0x9c: {  	[timem:s3], [sflag:s2] =	dma.local @!p0 [hbm:s0], s1  }
0x9d: {  	s0 =	simm.s32 @!p0 $0x4  }
0x9e: {  	_ =	swait.ge @!p0 [sflag:s0], s1  }
0x9f: {  	s1 =	ssub.s32 @!p0 $0x0, s1;
	[sflag:s0] =	ssyncset.done @!p0 $0x0  }
0xa0: {  	[sflag:s0] =	ssyncadd.s32 @!p0 s1  }
0xa1: {  	[bflag:$0x3] =	sbarrier.arrive $0xFFFF  }
0xa2: {  	_ =	shalt  }

// kernel: kernel.7.cloned.1.call-start
scs
__scs_entry_jumppad:
0x0: {  	(pc) =	sbr.rel $0x88, $3  }
0x1: {  	(tag) =	ssettag $0x0;
	lr =	simm.s32 $0x1  }
0x2: {  	[smem:$0x3F9B] =	sst lr;
	_ =	strace $0xD0000000  }
0x3: {  	_ = 	snop  }
0x4: {  	_ = 	snop  }
0x5: {  	_ = 	snop  }
0x6: {  	_ = 	snop  }
0x7: {  	_ = 	snop  }
__scs_overlays_trampoline_lowered:
0x8: {  	[smem:$0x3FAA] =	sst s0  }
0x9: {  	[smem:$0x3FAB] =	sst s1  }
0xa: {  	[smem:$0x3FAC] =	sst s2  }
0xb: {  	[smem:$0x3FAD] =	sst s3  }
0xc: {  	[smem:$0x3FAE] =	sst s4  }
0xd: {  	[smem:$0x3FAF] =	sst s5  }
0xe: {  	[smem:$0x3FB0] =	sst s6  }
0xf: {  	[smem:$0x3FB1] =	sst s7  }
0x10: {  	[smem:$0x3FB2] =	sst s8  }
0x11: {  	[smem:$0x3FB3] =	sst s9;
	s0 =	simm.s32 @!p0 $0x0  }
0x12: {  	s1 =	sld [smem:$0x3F99];
	s0 =	simm.s32 @p0 $0x1  }
0x13: {  	[smem:$0x3FB4] =	sst s0;
	s0 =	simm.s32 @!p1 $0x0  }
0x14: {  	s2 =	sld [smem:$0x3F98];
	s0 =	simm.s32 @p1 $0x1  }
0x15: {  	[smem:$0x3FB5] =	sst s0;
	s0 =	simm.s32 @!p2 $0x0  }
0x16: {  	s3 =	sld [smem:$0x3FDB];
	s0 =	simm.s32 @p2 $0x1  }
0x17: {  	s4 =	simm.s32 $0x1BF5;
	[smem:$0x3FB7] =	sst s0  }
0x18: {  	s0 =	sld [smem:$0x3F9A];
	_ =	swait.ge [sflag:s4], $0x0  }
0x19: {  	s7 =	sld [smem:$0x3F9B]  }
0x1a: {  	s8 =	sadd.s32 $0xFFFFE003, lr  }
0x1b: {  	s9 =	sadd.s32 $0xFFFFFEF7, lr;
	s5 =	simm.s32 $0xFFFFFFFF;
	p2 =	slt.u32 s8, $0xFFFFF086  }
0x1c: {  	p1 =	slt.u32 s9, $0xF7A;
	s5 =	simm.s32 @!p2 $0x0  }
0x1d: {  	s5 =	simm.s32 @p1 $0x1;
	p0 =	seq.s32 s7, s2  }
0x1e: {  	s7 =	smul.u32 @!p0 $0xF7A, s2;
	p2 =	seq.s32 @!p0 s5, $0x0  }
0x1f: {  	s9 =	smul.u32 $0xF7A, s1;
	s8 =	simm.s32 @!p0 $0x1BF5;
	p2 =	por !p2, p0  }
0x20: {  	[sflag:s8] =	ssyncset.s32 @!p0 $0xFFFFF086;
	s6 =	sadd.s32 @!p0 s3, s7;
	s7 =	simm.s32 @!p0 $0x108  }
0x21: {  	s3 =	sadd.s32 s3, s9;
	s6 =	sadd.s32 @!p0 $0x88, s6;
	s7 =	simm.s32 @p2 $0x1082  }
0x22: {  	[simem:s7], [sflag:s8] =	dma.local @!p0 [hbm:s6], $0xF7A  }
0x23: {  	s9 =	sor.u32 $0xD0000000, s2;
	s6 =	simm.s32 $0x108;
	_ =	swait.ge @!p0 [sflag:s8], $0x0  }
0x24: {  	s3 =	sadd.s32 $0x88, s3;
	s6 =	simm.s32 @!p1 $0x1082;
	[sflag:s4] =	ssyncset.s32 $0xFFFFF086  }
0x25: {  	[simem:s6], [sflag:s4] =	dma.local [hbm:s3], $0xF7A  }
0x26: {  	[smem:$0x3F9B] =	sst s1;
	(tag) =	ssettag s2;
	_ =	strace s9  }
0x27: {  	s1 =	sld [smem:$0x3FAB]  }
0x28: {  	s2 =	sld [smem:$0x3FAC]  }
0x29: {  	s4 =	sld [smem:$0x3FAE]  }
0x2a: {  	p0 =	seq.s32 s5, $0x0;
	s5 =	sld [smem:$0x3FAF]  }
0x2b: {  	s6 =	sld [smem:$0x3FB0]  }
0x2c: {  	s7 =	sld [smem:$0x3FB1]  }
0x2d: {  	s3 =	simm.s32 $0x108;
	s8 =	sld [smem:$0x3FB2]  }
0x2e: {  	s3 =	simm.s32 @!p0 $0x1082;
	s9 =	sld [smem:$0x3FB3]  }
0x2f: {  	lr =	sadd.s32 s0, s3;
	s0 =	sld [smem:$0x3FAA]  }
0x30: {  	s3 =	sld [smem:$0x3FAD]  }
0x31: {  	[smem:$0x3FB6] =	sst s10  }
0x32: {  	s10 =	sld [smem:$0x3FB4];
	_ =	sdelay $0x3  }
0x33: {  	p0 =	seq.s32 s10, $0x1;
	s10 =	sld [smem:$0x3FB6];
	_ =	sdelay $0x3  }
0x34: {  	[smem:$0x3FB6] =	sst s10  }
0x35: {  	s10 =	sld [smem:$0x3FB5];
	_ =	sdelay $0x3  }
0x36: {  	p1 =	seq.s32 s10, $0x1;
	s10 =	sld [smem:$0x3FB6];
	_ =	sdelay $0x3  }
0x37: {  	[smem:$0x3FB6] =	sst s10  }
0x38: {  	s10 =	sld [smem:$0x3FB7]  }
0x39: {  	_ = 	snop;
	(pc) =	sbr.ind lr, $3  }
0x3a: {  	_ = 	snop  }
0x3b: {  	_ = 	snop  }
0x3c: {  	p2 =	seq.s32 s10, $0x1;
	s10 =	sld [smem:$0x3FB6]  }
0x3d: {  	_ =	shalt  }
0x3e: {  	_ =	shalt  }
0x3f: {  	_ =	shalt  }
0x40: {  	_ =	shalt  }
0x41: {  	_ =	shalt  }
0x42: {  	_ =	shalt  }
0x43: {  	_ =	shalt  }
0x44: {  	_ =	shalt  }
0x45: {  	_ =	shalt  }
0x46: {  	_ =	shalt  }
0x47: {  	_ =	shalt  }
0x48: {  	_ =	shalt  }
0x49: {  	_ =	shalt  }
0x4a: {  	_ =	shalt  }
0x4b: {  	_ =	shalt  }
0x4c: {  	_ =	shalt  }
0x4d: {  	_ =	shalt  }
0x4e: {  	_ =	shalt  }
0x4f: {  	_ =	shalt  }
0x50: {  	_ =	shalt  }
0x51: {  	_ =	shalt  }
0x52: {  	_ =	shalt  }
0x53: {  	_ =	shalt  }
0x54: {  	_ =	shalt  }
0x55: {  	_ =	shalt  }
0x56: {  	_ =	shalt  }
0x57: {  	_ =	shalt  }
0x58: {  	_ =	shalt  }
0x59: {  	_ =	shalt  }
0x5a: {  	_ =	shalt  }
0x5b: {  	_ =	shalt  }
0x5c: {  	_ =	shalt  }
0x5d: {  	_ =	shalt  }
0x5e: {  	_ =	shalt  }
0x5f: {  	_ =	shalt  }
0x60: {  	_ =	shalt  }
0x61: {  	_ =	shalt  }
0x62: {  	_ =	shalt  }
0x63: {  	_ =	shalt  }
0x64: {  	_ =	shalt  }
0x65: {  	_ =	shalt  }
0x66: {  	_ =	shalt  }
0x67: {  	_ =	shalt  }
0x68: {  	_ =	shalt  }
0x69: {  	_ =	shalt  }
0x6a: {  	_ =	shalt  }
0x6b: {  	_ =	shalt  }
0x6c: {  	_ =	shalt  }
0x6d: {  	_ =	shalt  }
0x6e: {  	_ =	shalt  }
0x6f: {  	_ =	shalt  }
0x70: {  	_ =	shalt  }
0x71: {  	_ =	shalt  }
0x72: {  	_ =	shalt  }
0x73: {  	_ =	shalt  }
0x74: {  	_ =	shalt  }
0x75: {  	_ =	shalt  }
0x76: {  	_ =	shalt  }
0x77: {  	_ =	shalt  }
0x78: {  	_ =	shalt  }
0x79: {  	_ =	shalt  }
0x7a: {  	_ =	shalt  }
0x7b: {  	_ =	shalt  }
0x7c: {  	_ =	shalt  }
0x7d: {  	_ =	shalt  }
0x7e: {  	_ =	shalt  }
0x7f: {  	_ =	shalt  }
0x80: {  	_ =	shalt  }
0x81: {  	_ =	shalt  }
0x82: {  	_ =	shalt  }
0x83: {  	_ =	shalt  }
0x84: {  	_ =	shalt  }
0x85: {  	_ =	shalt  }
0x86: {  	_ =	shalt  }
0x87: {  	_ =	shalt  }
.Lfunc_end0:
.L_simem_size_0:
called_computation_lowered:
.L_overlay_start_0:
0x88: {  	s2 =	sld [smem:$0x3FD9]  }
0x89: {  	s3 =	sld [smem:$0x3FFE];
	_ =	sdelay $0x1  }
0x8a: {  	s1 =	srdreg.scid  }
0x8b: {  	s0 =	sand.u32 $0x1, s1  }
0x8c: {  	s17 =	sshll.u32 s0, $0xA;
	s2 =	sadd.s32 s3, s2  }
0x8d: {  	s2 =	sadd.s32 s2, s17  }
0x8e: {  	[smem:$0x3FC2] =	sst s2  }
0x8f: {  	_ = 	snop  }
0x90: {  	s2 =	sld [smem:$0x3FD0];
	(tm) =	ssettm $0x1  }
0x91: {  	s18 =	sld [smem:$0x3FFB];
	_ =	sdelay $0x3  }
0x92: {  	_ =	strace s18  }
0x93: {  	s3 =	sld [smem:$0x3FFC];
	_ =	sdelay $0x3  }
0x94: {  	_ =	strace s3  }
0x95: {  	s3 =	sld [smem:$0x3FFD];
	_ =	sdelay $0x3  }
0x96: {  	_ =	strace s3  }
0x97: {  	_ =	strace $0x8FFFFFFF  }
0x98: {  	s19 =	sld [smem:$0x3FDB];
	_ =	sdelay $0x1  }
0x99: {  	s4 =	simm.s32 $_scs_section_size  }
0x9a: {  	s5 =	simm.s32 $_size__tile_overlayer_lowered;
	s6 =	simm.s32 $_tile_overlayer_lowered  }
0x9b: {  	s22 =	simm.s32 $0x1BFF;
	s21 =	sshll.u32 s6, $0x1;
	s3 =	sadd.s32 s4, s19  }
0x9c: {  	s7 =	simm.s32 $0x0;
	s20 =	sshll.u32 s5, $0x1;
	s5 =	sadd.s32 s21, s3  }
0x9d: {  	[timem:s7], [sflag:s22] =	dma.local [hbm:s5], s20  }
0x9e: {  	_ =	swait.ge [sflag:s22], s20  }
0x9f: {  	s4 =	ssub.s32 $0x0, s20;
	[sflag:s22] =	ssyncset.done $0x0  }
0xa0: {  	[sflag:s22] =	ssyncadd.s32 s4;
	_ =	sdelay $0x1  }
0xa1: {  	s23 =	simm.s32 $0x1B8B  }
0xa2: {  	_ =	swait.ge [sflag:s23], $0x1  }
0xa3: {  	[sflag:s23] =	ssyncset.done $0x0  }
0xa4: {  	s25 =	simm.s32 $0x1B8E;
	s24 =	sld [smem:$0x3FFE];
	[sflag:s23] =	ssyncadd.s32 $0xFFFFFFFF  }
0xa5: {  	s26 =	simm.s32 $execute0_lowered;
	[smem:$0x3FD2] =	sst s25  }
0xa6: {  	s5 =	sshll.u32 s26, $0x1;
	_ =	strace $0x80000046;
	[dreg:$0x1] =	wrdreg $0xFFFFFFFF  }
0xa7: {  	s28 =	simm.s32 $_size_execute0_lowered;
	s3 =	sadd.s32 s3, s5;
	[dreg:$0x0] =	wrdreg $0x0  }
0xa8: {  	s5 =	sshll.u32 s28, $0x1;
	[dreg:$0x2] =	wrdreg s3  }
0xa9: {  	[dreg:$0x3] =	wrdreg s5  }
0xaa: {  	[dreg:$0x4] =	wrdreg $0xC0  }
0xab: {  	_ =	task [dreg:s7], $0x5FFFF  }
0xac: {  	[dreg:$0x1] =	wrdreg $0xFFFFFFFF  }
0xad: {  	[dreg:$0x0] =	wrdreg $0x60  }
0xae: {  	[dreg:$0x2] =	wrdreg s2  }
0xaf: {  	[dreg:$0x3] =	wrdreg s24  }
0xb0: {  	[dreg:$0x4] =	wrdreg $0x0  }
0xb1: {  	[dreg:$0x5] =	wrdreg $0x9  }
0xb2: {  	_ =	task.clear_ibuf [dreg:s7], $0x6FFFF;
	_ =	strace $0x90000046  }
0xb3: {  	s29 =	simm.s32 $0x9;
	_ =	strace $0x80000048  }
0xb4: {  	_ =	swait.ge [sflag:s29], $0x1  }
0xb5: {  	[sflag:s29] =	ssyncadd.s32 $0xFFFFFFFF  }
0xb6: {  	_ =	strace $0x90000048  }
0xb7: {  	_ =	sfence  }
0xb8: {  	s30 =	sld [smem:$0x0];
	_ =	sdelay $0x2  }
0xb9: {  	s31 =	sshll.u32 s1, $0xD;
	s1 =	sshrl.u32 s1, $0x2  }
0xba: {  	s3 =	sand.u32 $0x4000, s31;
	s1 =	sadd.s32 s1, s30  }
0xbb: {  	s0 =	sor.u32 s3, s0;
	s1 =	sshll.u32 s1, $0x11  }
0xbc: {  	s0 =	sor.u32 s1, s0  }
0xbd: {  	s0 =	sadd.s32 $0x8F2B, s0  }
0xbe: {  	[sflag:s0] =	ssyncadd.remote.s32 $0x1  }
0xbf: {  	_ =	sfence.sel $0xFFFF  }
0xc0: {  	[dreg:$0x0] =	wrdreg $0xFFFFFFFF;
	(pc) =	sbr.abs _section_cstart, $3  }
0xc1: {  	[dreg:$0x1] =	wrdreg $0xFFFFFFFF  }
0xc2: {  	_ =	task.clear_ibuf [dreg:s7], $0x2FFFF;
	_ =	strace $0x9FFFFFFF  }
0xc3: {  	(tm) =	ssettm $0x7FFFFFFF  }
tec
execute0_lowered:
.L_overlay_start_1:
0x0: {  	(tag) =	ssettag $0x1  }
0x1: {  	s1 =	rddreg [dreg:$0x0]  }
0x2: {  	s6 =	rddreg [dreg:$0x1]  }
0x3: {  	s2 =	rddreg [dreg:$0x2];
	s3 =	srdreg.scid  }
0x4: {  	s0 =	rddreg [dreg:$0x3];
	s4 =	simm.s32 $0x0;
	s17 =	simm.s32 $0x3  }
0x5: {  	s18 =	simm.s32 $0x1;
	s19 =	simm.s32 $0x2;
	s20 =	simm.s32 $0x80  }
0x6: {  	s21 =	simm.s32 $0x16400;
	s22 =	simm.s32 $0x13C80;
	s23 =	simm.s32 $0x1A400  }
0x7: {  	s28 =	simm.s32 $0x0;
	s7 =	sand.u32 $0x1, s3;
	s3 =	stileid.u32  }
0x8: {  	[smem:$0x7FF] =	sst s4;
	s10 =	sadd.s32 $0x2000, s6;
	s8 =	smul.u32 $0x13C000, s7  }
0x9: {  	s11 =	sadd.s32 $0xC000, s6;
	s5 =	sadd.s32 $0x16000, s6;
	s9 =	smul.u32 $0x13C00, s3  }
0xa: {  	_ =	strace $0x80000047;
	s24 =	ssub.s32 $0x2, s7;
	s7 =	sshll.u32 s7, $0x4  }
0xb: {  	s13 =	smul.u32 $0x4F000, s3;
	s12 =	sshrl.u32 s24, $0x1;
	s7 =	sor.u32 s3, s7  }
0xc: {  	s8 =	sadd.s32 s9, s8;
	s15 =	ssub.s32 s24, s12;
	s25 =	smul.u32 $0x2800, s7  }
0xd: {  	s26 =	sshrl.u32 s13, $0x2;
	s29 =	smul.u32 $0x500, s7;
	s24 =	simm.s32 $0x4  }
0xe: {  	s8 =	sshrl.u32 s8, $0x3;
	s16 =	sadd.s32 s26, s2;
	s13 =	smax.u32 s15, $0x1  }
0xf: {  	s15 =	simm.s32 $0x13C00;
	s26 =	simm.s32 $0x16380;
	s14 =	sadd.s32 s8, s6  }
0x10: {  	s6 =	sshll.u32 s3, $0x6;
	s30 =	sshrl.u32 s25, $0x3;
	s8 =	sadd.s32 s10, s29  }
0x11: {  	s9 =	sadd.s32 s11, s29;
	s25 =	simm.s32 $0x16300;
	s7 =	sor.u32 $0x1C03, s6  }
0x12: {  	s31 =	sadd.s32 $0x280, s30;
	s12 =	sadd.s32 $0x18800, s14;
	s14 =	sshrl.u32 s16, $0x3  }
0x13: {  	s16 =	simm.s32 $0x15000;
	s10 =	sadd.s32 s10, s31;
	s11 =	sadd.s32 s11, s31  }
.LBB2_1:
0x14: {  	[spmem:s14], [sflag:s7] =	dma.local [hbm:s5], $0x2780  }
0x15: {  	[tilespmem:s15], [sflag:$0x1] =	stream.linear.gather [hbm4b:s8+s4], $0x1400, $0x38;
	[tilespmem:$0x1E400] =	vst v63  }
0x16: {  	_ = 	snop  }
0x17: {  	[tilespmem:s16], [sflag:$0x2] =	stream.linear.gather [hbm4b:s9+s4], $0x1400, $0x38;
	[tilespmem:$0x1E400] =	vst v63  }
0x18: {  	_ =	swait.ge [sflag:s17], $0x2780  }
0x19: {  	[sflag:s17] =	ssyncset.done $0x0  }
0x1a: {  	[sflag:s17] =	ssyncadd.s32 $0xFFFFD880  }
0x1b: {  	_ =	swait.ge [sflag:s18], $0x1400  }
0x1c: {  	[sflag:s18] =	ssyncset.done $0x0  }
0x1d: {  	[sflag:s18] =	ssyncadd.s32 $0xFFFFEC00  }
0x1e: {  	_ =	swait.ge [sflag:s19], $0x1400  }
0x1f: {  	[sflag:s19] =	ssyncset.done $0x0  }
0x20: {  	[sflag:s19] =	ssyncadd.s32 $0xFFFFEC00  }
0x21: {  	[bflag:$0x0] =	sbarrier.arrive $0xFFFF  }
0x22: {  	[tilespmem:s21], [sflag:$0x1] =	stream.indirect.gather [hbm4b:s1+s20], $0x80, s15, s20, $0xb8;
	[tilespmem:$0x1E400] =	vst v63  }
0x23: {  	_ = 	snop  }
0x24: {  	[tilespmem:s23], [sflag:$0x2] =	stream.indirect.gather [hbm4b:s1+s20], $0x80, s22, s20, $0xb8;
	[tilespmem:$0x1E400] =	vst v63  }
0x25: {  	_ =	swait.ge [sflag:s18], $0x4000  }
0x26: {  	[sflag:s18] =	ssyncset.done $0x0  }
0x27: {  	s29 =	simm.s32 $0x15000;
	[sflag:s18] =	ssyncadd.s32 $0xFFFFC000  }
0x28: {  	[spmem:s2] =	stream.indirect.scatter.add.f32 [tilespmem:s21], [sflag:$0x4], $0x80, s29, s20, $0xb8;
	[tilespmem:$0x1E400] =	vst v63  }
0x29: {  	_ =	swait.ge [sflag:s24], $0x4000  }
0x2a: {  	[sflag:s24] =	ssyncset.done $0x0  }
0x2b: {  	s29 =	simm.s32 $0x13D00;
	[sflag:s24] =	ssyncadd.s32 $0xFFFFC000  }
0x2c: {  	[tilespmem:s21], [sflag:$0x1] =	stream.indirect.gather [hbm4b:s1+s20], $0x80, s29, s20, $0xb8;
	[tilespmem:$0x1E400] =	vst v63  }
0x2d: {  	_ =	swait.ge [sflag:s19], $0x4000  }
0x2e: {  	[sflag:s19] =	ssyncset.done $0x0  }
0x2f: {  	s29 =	simm.s32 $0x15080;
	[sflag:s19] =	ssyncadd.s32 $0xFFFFC000  }
0x30: {  	[spmem:s2] =	stream.indirect.scatter.add.f32 [tilespmem:s23], [sflag:$0x4], $0x80, s29, s20, $0xb8;
	[tilespmem:$0x1E400] =	vst v63  }
0x31: {  	_ =	swait.ge [sflag:s24], $0x4000  }
0x32: {  	[sflag:s24] =	ssyncset.done $0x0  }
0x33: {  	s30 =	simm.s32 $0x13D80;
	s29 =	simm.s32 $0x400;
	[sflag:s24] =	ssyncadd.s32 $0xFFFFC000  }
.LBB2_2:
0x34: {  	[tilespmem:s23], [sflag:$0x2] =	stream.indirect.gather [hbm4b:s1+s20], $0x80, s30, s20, $0xb8;
	[tilespmem:$0x1E400] =	vst v63  }
0x35: {  	s30 =	smov.u32 s29  }
0x36: {  	p0 =	sne.s32 s29, $0x4800;
	s29 =	sadd.s32 $0x400, s29;
	_ =	swait.ge [sflag:s18], $0x4000  }
0x37: {  	s30 =	sshra.s32 s30, $0x2;
	[sflag:s18] =	ssyncset.done $0x0  }
0x38: {  	s31 =	sadd.s32 $0x15000, s30;
	[sflag:s18] =	ssyncadd.s32 $0xFFFFC000  }
0x39: {  	[spmem:s2] =	stream.indirect.scatter.add.f32 [tilespmem:s21], [sflag:$0x4], $0x80, s31, s20, $0xb8;
	[tilespmem:$0x1E400] =	vst v63  }
0x3a: {  	_ =	swait.ge [sflag:s24], $0x4000  }
0x3b: {  	[sflag:s24] =	ssyncset.done $0x0  }
0x3c: {  	s31 =	sadd.s32 $0x13D00, s30;
	[sflag:s24] =	ssyncadd.s32 $0xFFFFC000  }
0x3d: {  	[tilespmem:s21], [sflag:$0x1] =	stream.indirect.gather [hbm4b:s1+s20], $0x80, s31, s20, $0xb8;
	[tilespmem:$0x1E400] =	vst v63  }
0x3e: {  	_ =	swait.ge [sflag:s19], $0x4000  }
0x3f: {  	[sflag:s19] =	ssyncset.done $0x0  }
.Ltmp0:
0x40: {  	s31 =	sadd.s32 $0x15080, s30;
	[sflag:s19] =	ssyncadd.s32 $0xFFFFC000;
	(pc) =	sbr.rel @p0 .LBB2_2-.Ltmp0, $4  }
0x41: {  	[spmem:s2] =	stream.indirect.scatter.add.f32 [tilespmem:s23], [sflag:$0x4], $0x80, s31, s20, $0xb8;
	[tilespmem:$0x1E400] =	vst v63  }
0x42: {  	_ =	swait.ge [sflag:s24], $0x4000  }
0x43: {  	[sflag:s24] =	ssyncset.done $0x0  }
0x44: {  	s30 =	sadd.s32 $0x13D80, s30;
	[sflag:s24] =	ssyncadd.s32 $0xFFFFC000  }
0x45: {  	[tilespmem:s23], [sflag:$0x2] =	stream.indirect.gather [hbm4b:s1+s20], $0x80, s30, s20, $0xb8;
	[tilespmem:$0x1E400] =	vst v63  }
0x46: {  	_ =	swait.ge [sflag:s18], $0x4000  }
0x47: {  	[sflag:s18] =	ssyncset.done $0x0  }
0x48: {  	[sflag:s18] =	ssyncadd.s32 $0xFFFFC000  }
0x49: {  	[spmem:s2] =	stream.indirect.scatter.add.f32 [tilespmem:s21], [sflag:$0x4], $0x80, s25, s20, $0xb8;
	[tilespmem:$0x1E400] =	vst v63  }
0x4a: {  	_ =	swait.ge [sflag:s24], $0x4000  }
0x4b: {  	[sflag:s24] =	ssyncset.done $0x0  }
0x4c: {  	[sflag:s24] =	ssyncadd.s32 $0xFFFFC000  }
0x4d: {  	_ =	swait.ge [sflag:s19], $0x4000  }
0x4e: {  	[sflag:s19] =	ssyncset.done $0x0  }
0x4f: {  	[sflag:s19] =	ssyncadd.s32 $0xFFFFC000  }
0x50: {  	[spmem:s2] =	stream.indirect.scatter.add.f32 [tilespmem:s23], [sflag:$0x4], $0x80, s26, s20, $0xb8;
	[tilespmem:$0x1E400] =	vst v63  }
0x51: {  	_ =	swait.ge [sflag:s24], $0x4000  }
0x52: {  	[sflag:s24] =	ssyncset.done $0x0  }
0x53: {  	s29 =	simm.s32 $0x0;
	[sflag:s24] =	ssyncadd.s32 $0xFFFFC000  }
0x54: {  	[tilespmem:s15], [sflag:$0x4] =	stream.linear.gather [hbm4b:s10+s29], $0x1400, $0x38;
	[tilespmem:$0x1E400] =	vst v63  }
0x55: {  	_ =	swait.ge [sflag:s24], $0x1400  }
0x56: {  	[sflag:s24] =	ssyncset.done $0x0  }
0x57: {  	[sflag:s24] =	ssyncadd.s32 $0xFFFFEC00  }
0x58: {  	[tilespmem:s16], [sflag:$0x4] =	stream.linear.gather [hbm4b:s11+s29], $0x1400, $0x38;
	[tilespmem:$0x1E400] =	vst v63  }
0x59: {  	_ =	swait.ge [sflag:s24], $0x1400  }
0x5a: {  	[sflag:s24] =	ssyncset.done $0x0  }
0x5b: {  	[sflag:s24] =	ssyncadd.s32 $0xFFFFEC00  }
0x5c: {  	[tilespmem:s21], [sflag:$0x1] =	stream.indirect.gather [hbm4b:s1+s20], $0x80, s15, s20, $0xb8;
	[tilespmem:$0x1E400] =	vst v63  }
0x5d: {  	_ = 	snop  }
0x5e: {  	[tilespmem:s23], [sflag:$0x2] =	stream.indirect.gather [hbm4b:s1+s20], $0x80, s22, s20, $0xb8;
	[tilespmem:$0x1E400] =	vst v63  }
0x5f: {  	_ =	swait.ge [sflag:s18], $0x4000  }
0x60: {  	[sflag:s18] =	ssyncset.done $0x0  }
0x61: {  	s29 =	simm.s32 $0x15000;
	[sflag:s18] =	ssyncadd.s32 $0xFFFFC000  }
0x62: {  	[spmem:s2] =	stream.indirect.scatter.add.f32 [tilespmem:s21], [sflag:$0x4], $0x80, s29, s20, $0xb8;
	[tilespmem:$0x1E400] =	vst v63  }
0x63: {  	_ =	swait.ge [sflag:s24], $0x4000  }
0x64: {  	[sflag:s24] =	ssyncset.done $0x0  }
0x65: {  	s29 =	simm.s32 $0x13D00;
	[sflag:s24] =	ssyncadd.s32 $0xFFFFC000  }
0x66: {  	[tilespmem:s21], [sflag:$0x1] =	stream.indirect.gather [hbm4b:s1+s20], $0x80, s29, s20, $0xb8;
	[tilespmem:$0x1E400] =	vst v63  }
0x67: {  	_ =	swait.ge [sflag:s19], $0x4000  }
0x68: {  	[sflag:s19] =	ssyncset.done $0x0  }
0x69: {  	s29 =	simm.s32 $0x15080;
	[sflag:s19] =	ssyncadd.s32 $0xFFFFC000  }
0x6a: {  	[spmem:s2] =	stream.indirect.scatter.add.f32 [tilespmem:s23], [sflag:$0x4], $0x80, s29, s20, $0xb8;
	[tilespmem:$0x1E400] =	vst v63  }
0x6b: {  	_ =	swait.ge [sflag:s24], $0x4000  }
0x6c: {  	[sflag:s24] =	ssyncset.done $0x0  }
0x6d: {  	s30 =	simm.s32 $0x13D80;
	s29 =	simm.s32 $0x400;
	[sflag:s24] =	ssyncadd.s32 $0xFFFFC000  }
.LBB2_4:
0x6e: {  	[tilespmem:s23], [sflag:$0x2] =	stream.indirect.gather [hbm4b:s1+s20], $0x80, s30, s20, $0xb8;
	[tilespmem:$0x1E400] =	vst v63  }
0x6f: {  	s30 =	smov.u32 s29  }
0x70: {  	p0 =	sne.s32 s29, $0x4800;
	s29 =	sadd.s32 $0x400, s29;
	_ =	swait.ge [sflag:s18], $0x4000  }
0x71: {  	s30 =	sshra.s32 s30, $0x2;
	[sflag:s18] =	ssyncset.done $0x0  }
0x72: {  	s31 =	sadd.s32 $0x15000, s30;
	[sflag:s18] =	ssyncadd.s32 $0xFFFFC000  }
0x73: {  	[spmem:s2] =	stream.indirect.scatter.add.f32 [tilespmem:s21], [sflag:$0x4], $0x80, s31, s20, $0xb8;
	[tilespmem:$0x1E400] =	vst v63  }
0x74: {  	_ =	swait.ge [sflag:s24], $0x4000  }
0x75: {  	[sflag:s24] =	ssyncset.done $0x0  }
0x76: {  	s31 =	sadd.s32 $0x13D00, s30;
	[sflag:s24] =	ssyncadd.s32 $0xFFFFC000  }
0x77: {  	[tilespmem:s21], [sflag:$0x1] =	stream.indirect.gather [hbm4b:s1+s20], $0x80, s31, s20, $0xb8;
	[tilespmem:$0x1E400] =	vst v63  }
0x78: {  	_ =	swait.ge [sflag:s19], $0x4000  }
0x79: {  	[sflag:s19] =	ssyncset.done $0x0  }
.Ltmp1:
0x7a: {  	s31 =	sadd.s32 $0x15080, s30;
	[sflag:s19] =	ssyncadd.s32 $0xFFFFC000;
	(pc) =	sbr.rel @p0 .LBB2_4-.Ltmp1, $4  }
0x7b: {  	[spmem:s2] =	stream.indirect.scatter.add.f32 [tilespmem:s23], [sflag:$0x4], $0x80, s31, s20, $0xb8;
	[tilespmem:$0x1E400] =	vst v63  }
0x7c: {  	_ =	swait.ge [sflag:s24], $0x4000  }
0x7d: {  	[sflag:s24] =	ssyncset.done $0x0  }
0x7e: {  	s30 =	sadd.s32 $0x13D80, s30;
	[sflag:s24] =	ssyncadd.s32 $0xFFFFC000  }
0x7f: {  	[tilespmem:s23], [sflag:$0x2] =	stream.indirect.gather [hbm4b:s1+s20], $0x80, s30, s20, $0xb8;
	[tilespmem:$0x1E400] =	vst v63  }
0x80: {  	_ =	swait.ge [sflag:s18], $0x4000  }
0x81: {  	[sflag:s18] =	ssyncset.done $0x0  }
0x82: {  	[sflag:s18] =	ssyncadd.s32 $0xFFFFC000  }
0x83: {  	[spmem:s2] =	stream.indirect.scatter.add.f32 [tilespmem:s21], [sflag:$0x4], $0x80, s25, s20, $0xb8;
	[tilespmem:$0x1E400] =	vst v63  }
0x84: {  	_ =	swait.ge [sflag:s24], $0x4000  }
0x85: {  	[sflag:s24] =	ssyncset.done $0x0  }
0x86: {  	[sflag:s24] =	ssyncadd.s32 $0xFFFFC000  }
0x87: {  	_ =	swait.ge [sflag:s19], $0x4000  }
0x88: {  	[sflag:s19] =	ssyncset.done $0x0  }
0x89: {  	[sflag:s19] =	ssyncadd.s32 $0xFFFFC000  }
0x8a: {  	[spmem:s2] =	stream.indirect.scatter.add.f32 [tilespmem:s23], [sflag:$0x4], $0x80, s26, s20, $0xb8;
	[tilespmem:$0x1E400] =	vst v63  }
0x8b: {  	_ =	swait.ge [sflag:s24], $0x4000  }
0x8c: {  	s28 =	sadd.s32 $0x1, s28;
	[sflag:s24] =	ssyncset.done $0x0  }
0x8d: {  	p0 =	sne.s32 s28, s13;
	[sflag:s24] =	ssyncadd.s32 $0xFFFFC000  }
.Ltmp2:
0x8e: {  	s29 =	sor.u32 $0x1C04, s6;
	[bflag:$0x0] =	sbarrier.arrive $0xFFFF;
	(pc) =	sbr.rel @p0 .LBB2_1-.Ltmp2, $4  }
0x8f: {  	[hbm:s12], [sflag:s29] =	dma.local [spmem:s14], $0x2780  }
0x90: {  	_ =	swait.ge [sflag:s24], $0x2780  }
0x91: {  	[sflag:s24] =	ssyncset.done $0x0  }
0x92: {  	[sflag:s24] =	ssyncadd.s32 $0xFFFFD880  }
0x93: {  	_ =	sfence.sel $0x180000  }
0x94: {  	[bflag:$0x0] =	sbarrier.arrive $0xFFFF  }
0x95: {  	p0 =	sne.s32 s3, $0x0;
	_ =	strace $0x90000047  }
0x96: {  	s0 =	sadd.s32 @!p0 $0x100000, s0;
	[bflag:$0x2] =	sbarrier.arrive $0xFFFF  }
0x97: {  	[sflag:s0] =	ssyncadd.tile.s32 @!p0 $0x1;
	_ =	shalt  }
.Lfunc_end2:
_tile_overlayer_lowered:
.L_overlay_start_2:
0x98: {  	(tag) =	ssettag $0x2  }
0x99: {  	s0 =	rddreg [dreg:$0x0];
	s2 =	stileid.u32  }
0x9a: {  	s1 =	rddreg [dreg:$0x1];
	p0 =	sne.s32 s2, $0x0  }
0x9b: {  	s3 =	rddreg [dreg:$0x2];
	[bflag:$0x3] =	sbarrier.arrive $0xFFFF;
	s2 =	simm.s32 @!p0 $0x1C04  }
0x9c: {  	[timem:s3], [sflag:s2] =	dma.local @!p0 [hbm:s0], s1  }
0x9d: {  	s0 =	simm.s32 @!p0 $0x4  }
0x9e: {  	_ =	swait.ge @!p0 [sflag:s0], s1  }
0x9f: {  	s1 =	ssub.s32 @!p0 $0x0, s1;
	[sflag:s0] =	ssyncset.done @!p0 $0x0  }
0xa0: {  	[sflag:s0] =	ssyncadd.s32 @!p0 s1  }
0xa1: {  	[bflag:$0x3] =	sbarrier.arrive $0xFFFF  }
0xa2: {  	_ =	shalt  }

</sc_bundles>
